<compile_context>
chip_gen: v7x
topology: tpu7x:2x2x1
jax: 0.10.2.dev20260603
libtpu: 0.0.44.dev20260713+nightly
codegen_flags: <defaults>
</compile_context>

<pallas_src>
import jax
import jax.numpy as jnp
from jax import lax
from jax.experimental import pallas as pl
from jax.experimental.pallas import tpu as pltpu
from jax.experimental.pallas import tpu_sc as plsc

LATENT_DIM = 16
BATCH = 16384
NUM_WORKERS = 32
B_PER_W = BATCH // NUM_WORKERS
LANES = 16
CHUNK = 16
N_CHUNKS = B_PER_W // CHUNK
TILE_W = 128


def _lfm_body(uids_hbm, iids_hbm, utab_hbm, itab_hbm, out_hbm,
              uidx_v, iidx_v, ubuf_v, ibuf_v, out_v, usem, isem):
    wid = lax.axis_index("s") * 2 + lax.axis_index("c")
    base = wid * B_PER_W

    pltpu.sync_copy(uids_hbm.at[pl.ds(base, B_PER_W)], uidx_v)
    pltpu.sync_copy(iids_hbm.at[pl.ds(base, B_PER_W)], iidx_v)

    neg128 = jnp.int32(-128)
    lane_iota = lax.iota(jnp.int32, LANES)
    mask127 = jnp.full((LANES,), 127, jnp.int32)

    def chunk_step(k, carry):
        sl = pl.ds(k * CHUNK, CHUNK)
        uvec = uidx_v[sl]
        ivec = iidx_v[sl]
        ubase = jnp.bitwise_and(uvec, neg128)
        ibase = jnp.bitwise_and(ivec, neg128)
        for t in range(CHUNK):
            dst = pl.ds(t * TILE_W, TILE_W)
            pltpu.async_copy(
                utab_hbm.at[:, pl.ds(pl.multiple_of(ubase[t], TILE_W),
                                     TILE_W)],
                ubuf_v.at[:, dst], usem)
            pltpu.async_copy(
                itab_hbm.at[:, pl.ds(pl.multiple_of(ibase[t], TILE_W),
                                     TILE_W)],
                ibuf_v.at[:, dst], isem)

        def drain(m, c2):
            pltpu.make_async_copy(utab_hbm.at[:, pl.ds(0, TILE_W)],
                                  ubuf_v.at[:, pl.ds(0, TILE_W)],
                                  usem).wait()
            pltpu.make_async_copy(itab_hbm.at[:, pl.ds(0, TILE_W)],
                                  ibuf_v.at[:, pl.ds(0, TILE_W)],
                                  isem).wait()
            return c2

        lax.fori_loop(0, CHUNK, drain, 0)

        usub = jnp.bitwise_and(uvec, mask127)
        isub = jnp.bitwise_and(ivec, mask127)
        ucol = lane_iota * TILE_W + usub
        icol = lane_iota * TILE_W + isub
        acc = jnp.zeros((LANES,), jnp.float32)
        for d in range(LATENT_DIM):
            dv = jnp.full((LANES,), d, jnp.int32)
            uu = plsc.load_gather(ubuf_v, [dv, ucol])
            ii = plsc.load_gather(ibuf_v, [dv, icol])
            acc = acc + uu * ii
        out_v[sl] = acc
        return carry

    lax.fori_loop(0, N_CHUNKS, chunk_step, 0)

    pltpu.sync_copy(out_v, out_hbm.at[pl.ds(base, B_PER_W)])


@jax.jit
def kernel(user_ids, item_ids, user_table, item_table):
    mesh = plsc.VectorSubcoreMesh(core_axis_name="c", subcore_axis_name="s")
    run = pl.kernel(
        _lfm_body,
        out_type=jax.ShapeDtypeStruct((BATCH,), jnp.float32),
        mesh=mesh,
        compiler_params=pltpu.CompilerParams(needs_layout_passes=False),
        scratch_types=[
            pltpu.VMEM((B_PER_W,), jnp.int32),
            pltpu.VMEM((B_PER_W,), jnp.int32),
            pltpu.VMEM((LATENT_DIM, CHUNK * TILE_W), jnp.float32),
            pltpu.VMEM((LATENT_DIM, CHUNK * TILE_W), jnp.float32),
            pltpu.VMEM((B_PER_W,), jnp.float32),
            pltpu.SemaphoreType.DMA,
            pltpu.SemaphoreType.DMA,
        ],
    )
    return run(user_ids.astype(jnp.int32), item_ids.astype(jnp.int32),
               user_table.T, item_table.T)

# --- scband reference (transcript-rebuilt; emitter-appended) ---
"""Pipeline reference for scband-latent-factor-model-32023276159513 (READ-ONLY COPY).

The authoritative reference and input builder live on the scoring server;
editing this copy changes nothing except your own understanding.
"""

import jax, jax.numpy as jnp
import numpy as np

N_USERS = 1000000
N_ITEMS = 1000000
LATENT_DIM = 16
BATCH = 16384

def setup_inputs(seed: int = 0) -> dict:
    key = jax.random.key(seed)
    k1, k2, k3, k4 = jax.random.split(key, 4)
    user_ids = jax.random.randint(k1, (BATCH,), 0, N_USERS, dtype=jnp.int64 if jax.config.jax_enable_x64 else jnp.int32)
    item_ids = jax.random.randint(k2, (BATCH,), 0, N_ITEMS, dtype=jnp.int64 if jax.config.jax_enable_x64 else jnp.int32)
    user_table = jax.random.normal(k3, (N_USERS, LATENT_DIM), dtype=jnp.float32)
    item_table = jax.random.normal(k4, (N_ITEMS, LATENT_DIM), dtype=jnp.float32)
    return {"user_ids": user_ids, "item_ids": item_ids, "user_table": user_table, "item_table": item_table}

def reference(user_ids, item_ids, user_table, item_table):
    # nn.Embedding lookup -> row gather from the table
    user_embed = jnp.take(user_table, user_ids, axis=0)
    item_embed = jnp.take(item_table, item_ids, axis=0)
    # elementwise product then sum over latent dim (dot product per pair)
    return (user_embed * item_embed).sum(axis=1)

if __name__ == "__main__":
    import jax
    _d = setup_inputs()
    print(jax.jit(kernel)(*tuple(_d.values())))

</pallas_src>

<mosaic_0001>
#map = affine_map<(d0, d1) -> (0)>
#map1 = affine_map<(d0, d1) -> (0, 0)>
module attributes {stable_mosaic.version = 14 : i64} {
  func.func @_lfm_body(%arg0: i32, %arg1: i32, %arg2: memref<16384xi32, #tpu.memory_space<hbm>>, %arg3: memref<16384xi32, #tpu.memory_space<hbm>>, %arg4: memref<16x1000000xf32, #tpu.memory_space<hbm>>, %arg5: memref<16x1000000xf32, #tpu.memory_space<hbm>>, %arg6: memref<16384xf32, #tpu.memory_space<hbm>>, %arg7: memref<512xi32, #tpu.memory_space<vmem>>, %arg8: memref<512xi32, #tpu.memory_space<vmem>>, %arg9: memref<16x2048xf32, #tpu.memory_space<vmem>>, %arg10: memref<16x2048xf32, #tpu.memory_space<vmem>>, %arg11: memref<512xf32, #tpu.memory_space<vmem>>, %arg12: memref<!tpu.dma_semaphore, #tpu.memory_space<semaphore_mem>>, %arg13: memref<!tpu.dma_semaphore, #tpu.memory_space<semaphore_mem>>) attributes {dimension_semantics = [#tpu.dimension_semantics<core_parallel>, #tpu.dimension_semantics<subcore_parallel>], iteration_bounds = array<i64: 2, 16>, scalar_prefetch = 0 : i64, scratch_operands = 7 : i64, tpu.core_type = #tpu.core_type<sc_vector_subcore>, window_params = [{transform_indices = #map}, {transform_indices = #map}, {transform_indices = #map1}, {transform_indices = #map1}, {transform_indices = #map}]} {
    %mul3A = arith.constant 2 : i32
    %mul3A_0 = arith.muli %arg1, %mul3A : i32
    %add3A = arith.addi %mul3A_0, %arg0 : i32
    %mul3A_1 = arith.constant 512 : i32
    %mul3A_2 = arith.muli %add3A, %mul3A_1 : i32
    "tpu.region"() ({
      %run_scoped3A = tpu.sem_alloc : memref<!tpu.dma_semaphore, #tpu.memory_space<semaphore_mem>>
      %dma_start3A = tpu.memref_slice %arg2[%mul3A_2] : memref<16384xi32, #tpu.memory_space<hbm>> -> memref<512xi32, #tpu.memory_space<hbm>>
      %dma_start3A_10 = tpu.memref_slice %arg2[%mul3A_2] : memref<16384xi32, #tpu.memory_space<hbm>> -> memref<512xi32, #tpu.memory_space<hbm>>
      tpu.enqueue_dma source(%dma_start3A_10 : memref<512xi32, #tpu.memory_space<hbm>>) target(%arg7 : memref<512xi32, #tpu.memory_space<vmem>>) target_semaphore(%run_scoped3A : memref<!tpu.dma_semaphore, #tpu.memory_space<semaphore_mem>>)
      %dma_wait3A = tpu.memref_slice %arg2[%mul3A_2] : memref<16384xi32, #tpu.memory_space<hbm>> -> memref<512xi32, #tpu.memory_space<hbm>>
      %dma_wait3A_11 = tpu.memref_slice %arg2[%mul3A_2] : memref<16384xi32, #tpu.memory_space<hbm>> -> memref<512xi32, #tpu.memory_space<hbm>>
      tpu.wait_dma2 semaphore(%run_scoped3A : memref<!tpu.dma_semaphore, #tpu.memory_space<semaphore_mem>>) src(%dma_wait3A_11 : memref<512xi32, #tpu.memory_space<hbm>>) dst(%arg7 : memref<512xi32, #tpu.memory_space<vmem>>)
      tpu.yield
    }) : () -> ()
    "tpu.region"() ({
      %run_scoped3A = tpu.sem_alloc : memref<!tpu.dma_semaphore, #tpu.memory_space<semaphore_mem>>
      %dma_start3A = tpu.memref_slice %arg3[%mul3A_2] : memref<16384xi32, #tpu.memory_space<hbm>> -> memref<512xi32, #tpu.memory_space<hbm>>
      %dma_start3A_10 = tpu.memref_slice %arg3[%mul3A_2] : memref<16384xi32, #tpu.memory_space<hbm>> -> memref<512xi32, #tpu.memory_space<hbm>>
      tpu.enqueue_dma source(%dma_start3A_10 : memref<512xi32, #tpu.memory_space<hbm>>) target(%arg8 : memref<512xi32, #tpu.memory_space<vmem>>) target_semaphore(%run_scoped3A : memref<!tpu.dma_semaphore, #tpu.memory_space<semaphore_mem>>)
      %dma_wait3A = tpu.memref_slice %arg3[%mul3A_2] : memref<16384xi32, #tpu.memory_space<hbm>> -> memref<512xi32, #tpu.memory_space<hbm>>
      %dma_wait3A_11 = tpu.memref_slice %arg3[%mul3A_2] : memref<16384xi32, #tpu.memory_space<hbm>> -> memref<512xi32, #tpu.memory_space<hbm>>
      tpu.wait_dma2 semaphore(%run_scoped3A : memref<!tpu.dma_semaphore, #tpu.memory_space<semaphore_mem>>) src(%dma_wait3A_11 : memref<512xi32, #tpu.memory_space<hbm>>) dst(%arg8 : memref<512xi32, #tpu.memory_space<vmem>>)
      tpu.yield
    }) : () -> ()
    %iota3A = tpu.iota {dimensions = array<i32: 0>} : vector<16xi32>
    %broadcast_in_dim3A = arith.constant 127 : i32
    %broadcast_in_dim3A_3 = vector.broadcast %broadcast_in_dim3A : i32 to vector<16xi32>
    %scan3A = arith.constant 0 : i32
    %scan3A_4 = arith.constant -128 : i32
    %scan3A_5 = arith.constant 0 : i32
    %scan3A_6 = arith.constant 32 : i32
    %scan3A_7 = arith.addi %scan3A_5, %scan3A_6 : i32
    %scan3A_8 = arith.constant 1 : i32
    scf.for %scan3A_10 = %scan3A_5 to %scan3A_7 step %scan3A_8  : i32 {
      %mul3A_11 = arith.constant 16 : i32
      %mul3A_12 = arith.muli %scan3A_10, %mul3A_11 : i32
      %get3A = arith.index_cast %mul3A_12 : i32 to index
      %get3A_13 = tpu.vector_load %arg7[%get3A] {strides = array<i32>} : memref<512xi32, #tpu.memory_space<vmem>>, vector<16xi32>,
      %get3A_14 = arith.index_cast %mul3A_12 : i32 to index
      %get3A_15 = tpu.vector_load %arg8[%get3A_14] {strides = array<i32>} : memref<512xi32, #tpu.memory_space<vmem>>, vector<16xi32>,
      %and3A = vector.broadcast %scan3A_4 : i32 to vector<16xi32>
      %and3A_16 = arith.andi %get3A_13, %and3A : vector<16xi32>
      %and3A_17 = vector.broadcast %scan3A_4 : i32 to vector<16xi32>
      %and3A_18 = arith.andi %get3A_15, %and3A_17 : vector<16xi32>
      %slice3A = vector.extract_strided_slice %and3A_16 {offsets = [0], sizes = [1], strides = [1]} : vector<16xi32> to vector<1xi32>
      %squeeze3A = vector.extract %slice3A[0] : i32 from vector<1xi32>
      %multiple_of3A = tpu.assume_multiple %squeeze3A, 128 : i32
      %dma_start3A = arith.constant 0 : i32
      %dma_start3A_19 = arith.constant 0 : i32
      %dma_start3A_20 = tpu.memref_slice %arg9[%dma_start3A, %dma_start3A_19] : memref<16x2048xf32, #tpu.memory_space<vmem>> -> memref<16x128xf32, #tpu.memory_space<vmem>>
      %dma_start3A_21 = arith.constant 0 : i32
      %dma_start3A_22 = tpu.memref_slice %arg4[%dma_start3A_21, %multiple_of3A] : memref<16x1000000xf32, #tpu.memory_space<hbm>> -> memref<16x128xf32, #tpu.memory_space<hbm>>
      %dma_start3A_23 = arith.constant 0 : i32
      %dma_start3A_24 = arith.constant 0 : i32
      %dma_start3A_25 = tpu.memref_slice %arg9[%dma_start3A_23, %dma_start3A_24] : memref<16x2048xf32, #tpu.memory_space<vmem>> -> memref<16x128xf32, #tpu.memory_space<vmem>>
      %dma_start3A_26 = arith.constant 0 : i32
      %dma_start3A_27 = tpu.memref_slice %arg4[%dma_start3A_26, %multiple_of3A] : memref<16x1000000xf32, #tpu.memory_space<hbm>> -> memref<16x128xf32, #tpu.memory_space<hbm>>
      tpu.enqueue_dma source(%dma_start3A_27 : memref<16x128xf32, #tpu.memory_space<hbm>>) target(%dma_start3A_25 : memref<16x128xf32, #tpu.memory_space<vmem>>) target_semaphore(%arg12 : memref<!tpu.dma_semaphore, #tpu.memory_space<semaphore_mem>>)
      %slice3A_28 = vector.extract_strided_slice %and3A_18 {offsets = [0], sizes = [1], strides = [1]} : vector<16xi32> to vector<1xi32>
      %squeeze3A_29 = vector.extract %slice3A_28[0] : i32 from vector<1xi32>
      %multiple_of3A_30 = tpu.assume_multiple %squeeze3A_29, 128 : i32
      %dma_start3A_31 = arith.constant 0 : i32
      %dma_start3A_32 = arith.constant 0 : i32
      %dma_start3A_33 = tpu.memref_slice %arg10[%dma_start3A_31, %dma_start3A_32] : memref<16x2048xf32, #tpu.memory_space<vmem>> -> memref<16x128xf32, #tpu.memory_space<vmem>>
      %dma_start3A_34 = arith.constant 0 : i32
      %dma_start3A_35 = tpu.memref_slice %arg5[%dma_start3A_34, %multiple_of3A_30] : memref<16x1000000xf32, #tpu.memory_space<hbm>> -> memref<16x128xf32, #tpu.memory_space<hbm>>
      %dma_start3A_36 = arith.constant 0 : i32
      %dma_start3A_37 = arith.constant 0 : i32
      %dma_start3A_38 = tpu.memref_slice %arg10[%dma_start3A_36, %dma_start3A_37] : memref<16x2048xf32, #tpu.memory_space<vmem>> -> memref<16x128xf32, #tpu.memory_space<vmem>>
      %dma_start3A_39 = arith.constant 0 : i32
      %dma_start3A_40 = tpu.memref_slice %arg5[%dma_start3A_39, %multiple_of3A_30] : memref<16x1000000xf32, #tpu.memory_space<hbm>> -> memref<16x128xf32, #tpu.memory_space<hbm>>
      tpu.enqueue_dma source(%dma_start3A_40 : memref<16x128xf32, #tpu.memory_space<hbm>>) target(%dma_start3A_38 : memref<16x128xf32, #tpu.memory_space<vmem>>) target_semaphore(%arg13 : memref<!tpu.dma_semaphore, #tpu.memory_space<semaphore_mem>>)
      %slice3A_41 = vector.extract_strided_slice %and3A_16 {offsets = [1], sizes = [1], strides = [1]} : vector<16xi32> to vector<1xi32>
      %squeeze3A_42 = vector.extract %slice3A_41[0] : i32 from vector<1xi32>
      %multiple_of3A_43 = tpu.assume_multiple %squeeze3A_42, 128 : i32
      %dma_start3A_44 = arith.constant 0 : i32
      %dma_start3A_45 = arith.constant 128 : i32
      %dma_start3A_46 = tpu.memref_slice %arg9[%dma_start3A_44, %dma_start3A_45] : memref<16x2048xf32, #tpu.memory_space<vmem>> -> memref<16x128xf32, #tpu.memory_space<vmem>>
      %dma_start3A_47 = arith.constant 0 : i32
      %dma_start3A_48 = tpu.memref_slice %arg4[%dma_start3A_47, %multiple_of3A_43] : memref<16x1000000xf32, #tpu.memory_space<hbm>> -> memref<16x128xf32, #tpu.memory_space<hbm>>
      %dma_start3A_49 = arith.constant 0 : i32
      %dma_start3A_50 = arith.constant 128 : i32
      %dma_start3A_51 = tpu.memref_slice %arg9[%dma_start3A_49, %dma_start3A_50] : memref<16x2048xf32, #tpu.memory_space<vmem>> -> memref<16x128xf32, #tpu.memory_space<vmem>>
      %dma_start3A_52 = arith.constant 0 : i32
      %dma_start3A_53 = tpu.memref_slice %arg4[%dma_start3A_52, %multiple_of3A_43] : memref<16x1000000xf32, #tpu.memory_space<hbm>> -> memref<16x128xf32, #tpu.memory_space<hbm>>
      tpu.enqueue_dma source(%dma_start3A_53 : memref<16x128xf32, #tpu.memory_space<hbm>>) target(%dma_start3A_51 : memref<16x128xf32, #tpu.memory_space<vmem>>) target_semaphore(%arg12 : memref<!tpu.dma_semaphore, #tpu.memory_space<semaphore_mem>>)
      %slice3A_54 = vector.extract_strided_slice %and3A_18 {offsets = [1], sizes = [1], strides = [1]} : vector<16xi32> to vector<1xi32>
      %squeeze3A_55 = vector.extract %slice3A_54[0] : i32 from vector<1xi32>
      %multiple_of3A_56 = tpu.assume_multiple %squeeze3A_55, 128 : i32
      %dma_start3A_57 = arith.constant 0 : i32
      %dma_start3A_58 = arith.constant 128 : i32
      %dma_start3A_59 = tpu.memref_slice %arg10[%dma_start3A_57, %dma_start3A_58] : memref<16x2048xf32, #tpu.memory_space<vmem>> -> memref<16x128xf32, #tpu.memory_space<vmem>>
      %dma_start3A_60 = arith.constant 0 : i32
      %dma_start3A_61 = tpu.memref_slice %arg5[%dma_start3A_60, %multiple_of3A_56] : memref<16x1000000xf32, #tpu.memory_space<hbm>> -> memref<16x128xf32, #tpu.memory_space<hbm>>
      %dma_start3A_62 = arith.constant 0 : i32
      %dma_start3A_63 = arith.constant 128 : i32
      %dma_start3A_64 = tpu.memref_slice %arg10[%dma_start3A_62, %dma_start3A_63] : memref<16x2048xf32, #tpu.memory_space<vmem>> -> memref<16x128xf32, #tpu.memory_space<vmem>>
      %dma_start3A_65 = arith.constant 0 : i32
      %dma_start3A_66 = tpu.memref_slice %arg5[%dma_start3A_65, %multiple_of3A_56] : memref<16x1000000xf32, #tpu.memory_space<hbm>> -> memref<16x128xf32, #tpu.memory_space<hbm>>
      tpu.enqueue_dma source(%dma_start3A_66 : memref<16x128xf32, #tpu.memory_space<hbm>>) target(%dma_start3A_64 : memref<16x128xf32, #tpu.memory_space<vmem>>) target_semaphore(%arg13 : memref<!tpu.dma_semaphore, #tpu.memory_space<semaphore_mem>>)
      %slice3A_67 = vector.extract_strided_slice %and3A_16 {offsets = [2], sizes = [1], strides = [1]} : vector<16xi32> to vector<1xi32>
      %squeeze3A_68 = vector.extract %slice3A_67[0] : i32 from vector<1xi32>
      %multiple_of3A_69 = tpu.assume_multiple %squeeze3A_68, 128 : i32
      %dma_start3A_70 = arith.constant 0 : i32
      %dma_start3A_71 = arith.constant 256 : i32
      %dma_start3A_72 = tpu.memref_slice %arg9[%dma_start3A_70, %dma_start3A_71] : memref<16x2048xf32, #tpu.memory_space<vmem>> -> memref<16x128xf32, #tpu.memory_space<vmem>>
      %dma_start3A_73 = arith.constant 0 : i32
      %dma_start3A_74 = tpu.memref_slice %arg4[%dma_start3A_73, %multiple_of3A_69] : memref<16x1000000xf32, #tpu.memory_space<hbm>> -> memref<16x128xf32, #tpu.memory_space<hbm>>
      %dma_start3A_75 = arith.constant 0 : i32
      %dma_start3A_76 = arith.constant 256 : i32
      %dma_start3A_77 = tpu.memref_slice %arg9[%dma_start3A_75, %dma_start3A_76] : memref<16x2048xf32, #tpu.memory_space<vmem>> -> memref<16x128xf32, #tpu.memory_space<vmem>>
      %dma_start3A_78 = arith.constant 0 : i32
      %dma_start3A_79 = tpu.memref_slice %arg4[%dma_start3A_78, %multiple_of3A_69] : memref<16x1000000xf32, #tpu.memory_space<hbm>> -> memref<16x128xf32, #tpu.memory_space<hbm>>
      tpu.enqueue_dma source(%dma_start3A_79 : memref<16x128xf32, #tpu.memory_space<hbm>>) target(%dma_start3A_77 : memref<16x128xf32, #tpu.memory_space<vmem>>) target_semaphore(%arg12 : memref<!tpu.dma_semaphore, #tpu.memory_space<semaphore_mem>>)
      %slice3A_80 = vector.extract_strided_slice %and3A_18 {offsets = [2], sizes = [1], strides = [1]} : vector<16xi32> to vector<1xi32>
      %squeeze3A_81 = vector.extract %slice3A_80[0] : i32 from vector<1xi32>
      %multiple_of3A_82 = tpu.assume_multiple %squeeze3A_81, 128 : i32
      %dma_start3A_83 = arith.constant 0 : i32
      %dma_start3A_84 = arith.constant 256 : i32
      %dma_start3A_85 = tpu.memref_slice %arg10[%dma_start3A_83, %dma_start3A_84] : memref<16x2048xf32, #tpu.memory_space<vmem>> -> memref<16x128xf32, #tpu.memory_space<vmem>>
      %dma_start3A_86 = arith.constant 0 : i32
      %dma_start3A_87 = tpu.memref_slice %arg5[%dma_start3A_86, %multiple_of3A_82] : memref<16x1000000xf32, #tpu.memory_space<hbm>> -> memref<16x128xf32, #tpu.memory_space<hbm>>
      %dma_start3A_88 = arith.constant 0 : i32
      %dma_start3A_89 = arith.constant 256 : i32
      %dma_start3A_90 = tpu.memref_slice %arg10[%dma_start3A_88, %dma_start3A_89] : memref<16x2048xf32, #tpu.memory_space<vmem>> -> memref<16x128xf32, #tpu.memory_space<vmem>>
      %dma_start3A_91 = arith.constant 0 : i32
      %dma_start3A_92 = tpu.memref_slice %arg5[%dma_start3A_91, %multiple_of3A_82] : memref<16x1000000xf32, #tpu.memory_space<hbm>> -> memref<16x128xf32, #tpu.memory_space<hbm>>
      tpu.enqueue_dma source(%dma_start3A_92 : memref<16x128xf32, #tpu.memory_space<hbm>>) target(%dma_start3A_90 : memref<16x128xf32, #tpu.memory_space<vmem>>) target_semaphore(%arg13 : memref<!tpu.dma_semaphore, #tpu.memory_space<semaphore_mem>>)
      %slice3A_93 = vector.extract_strided_slice %and3A_16 {offsets = [3], sizes = [1], strides = [1]} : vector<16xi32> to vector<1xi32>
      %squeeze3A_94 = vector.extract %slice3A_93[0] : i32 from vector<1xi32>
      %multiple_of3A_95 = tpu.assume_multiple %squeeze3A_94, 128 : i32
      %dma_start3A_96 = arith.constant 0 : i32
      %dma_start3A_97 = arith.constant 384 : i32
      %dma_start3A_98 = tpu.memref_slice %arg9[%dma_start3A_96, %dma_start3A_97] : memref<16x2048xf32, #tpu.memory_space<vmem>> -> memref<16x128xf32, #tpu.memory_space<vmem>>
      %dma_start3A_99 = arith.constant 0 : i32
      %dma_start3A_100 = tpu.memref_slice %arg4[%dma_start3A_99, %multiple_of3A_95] : memref<16x1000000xf32, #tpu.memory_space<hbm>> -> memref<16x128xf32, #tpu.memory_space<hbm>>
      %dma_start3A_101 = arith.constant 0 : i32
      %dma_start3A_102 = arith.constant 384 : i32
      %dma_start3A_103 = tpu.memref_slice %arg9[%dma_start3A_101, %dma_start3A_102] : memref<16x2048xf32, #tpu.memory_space<vmem>> -> memref<16x128xf32, #tpu.memory_space<vmem>>
      %dma_start3A_104 = arith.constant 0 : i32
      %dma_start3A_105 = tpu.memref_slice %arg4[%dma_start3A_104, %multiple_of3A_95] : memref<16x1000000xf32, #tpu.memory_space<hbm>> -> memref<16x128xf32, #tpu.memory_space<hbm>>
      tpu.enqueue_dma source(%dma_start3A_105 : memref<16x128xf32, #tpu.memory_space<hbm>>) target(%dma_start3A_103 : memref<16x128xf32, #tpu.memory_space<vmem>>) target_semaphore(%arg12 : memref<!tpu.dma_semaphore, #tpu.memory_space<semaphore_mem>>)
      %slice3A_106 = vector.extract_strided_slice %and3A_18 {offsets = [3], sizes = [1], strides = [1]} : vector<16xi32> to vector<1xi32>
      %squeeze3A_107 = vector.extract %slice3A_106[0] : i32 from vector<1xi32>
      %multiple_of3A_108 = tpu.assume_multiple %squeeze3A_107, 128 : i32
      %dma_start3A_109 = arith.constant 0 : i32
      %dma_start3A_110 = arith.constant 384 : i32
      %dma_start3A_111 = tpu.memref_slice %arg10[%dma_start3A_109, %dma_start3A_110] : memref<16x2048xf32, #tpu.memory_space<vmem>> -> memref<16x128xf32, #tpu.memory_space<vmem>>
      %dma_start3A_112 = arith.constant 0 : i32
      %dma_start3A_113 = tpu.memref_slice %arg5[%dma_start3A_112, %multiple_of3A_108] : memref<16x1000000xf32, #tpu.memory_space<hbm>> -> memref<16x128xf32, #tpu.memory_space<hbm>>
      %dma_start3A_114 = arith.constant 0 : i32
      %dma_start3A_115 = arith.constant 384 : i32
      %dma_start3A_116 = tpu.memref_slice %arg10[%dma_start3A_114, %dma_start3A_115] : memref<16x2048xf32, #tpu.memory_space<vmem>> -> memref<16x128xf32, #tpu.memory_space<vmem>>
      %dma_start3A_117 = arith.constant 0 : i32
      %dma_start3A_118 = tpu.memref_slice %arg5[%dma_start3A_117, %multiple_of3A_108] : memref<16x1000000xf32, #tpu.memory_space<hbm>> -> memref<16x128xf32, #tpu.memory_space<hbm>>
      tpu.enqueue_dma source(%dma_start3A_118 : memref<16x128xf32, #tpu.memory_space<hbm>>) target(%dma_start3A_116 : memref<16x128xf32, #tpu.memory_space<vmem>>) target_semaphore(%arg13 : memref<!tpu.dma_semaphore, #tpu.memory_space<semaphore_mem>>)
      %slice3A_119 = vector.extract_strided_slice %and3A_16 {offsets = [4], sizes = [1], strides = [1]} : vector<16xi32> to vector<1xi32>
      %squeeze3A_120 = vector.extract %slice3A_119[0] : i32 from vector<1xi32>
      %multiple_of3A_121 = tpu.assume_multiple %squeeze3A_120, 128 : i32
      %dma_start3A_122 = arith.constant 0 : i32
      %dma_start3A_123 = arith.constant 512 : i32
      %dma_start3A_124 = tpu.memref_slice %arg9[%dma_start3A_122, %dma_start3A_123] : memref<16x2048xf32, #tpu.memory_space<vmem>> -> memref<16x128xf32, #tpu.memory_space<vmem>>
      %dma_start3A_125 = arith.constant 0 : i32
      %dma_start3A_126 = tpu.memref_slice %arg4[%dma_start3A_125, %multiple_of3A_121] : memref<16x1000000xf32, #tpu.memory_space<hbm>> -> memref<16x128xf32, #tpu.memory_space<hbm>>
      %dma_start3A_127 = arith.constant 0 : i32
      %dma_start3A_128 = arith.constant 512 : i32
      %dma_start3A_129 = tpu.memref_slice %arg9[%dma_start3A_127, %dma_start3A_128] : memref<16x2048xf32, #tpu.memory_space<vmem>> -> memref<16x128xf32, #tpu.memory_space<vmem>>
      %dma_start3A_130 = arith.constant 0 : i32
      %dma_start3A_131 = tpu.memref_slice %arg4[%dma_start3A_130, %multiple_of3A_121] : memref<16x1000000xf32, #tpu.memory_space<hbm>> -> memref<16x128xf32, #tpu.memory_space<hbm>>
      tpu.enqueue_dma source(%dma_start3A_131 : memref<16x128xf32, #tpu.memory_space<hbm>>) target(%dma_start3A_129 : memref<16x128xf32, #tpu.memory_space<vmem>>) target_semaphore(%arg12 : memref<!tpu.dma_semaphore, #tpu.memory_space<semaphore_mem>>)
      %slice3A_132 = vector.extract_strided_slice %and3A_18 {offsets = [4], sizes = [1], strides = [1]} : vector<16xi32> to vector<1xi32>
      %squeeze3A_133 = vector.extract %slice3A_132[0] : i32 from vector<1xi32>
      %multiple_of3A_134 = tpu.assume_multiple %squeeze3A_133, 128 : i32
      %dma_start3A_135 = arith.constant 0 : i32
      %dma_start3A_136 = arith.constant 512 : i32
      %dma_start3A_137 = tpu.memref_slice %arg10[%dma_start3A_135, %dma_start3A_136] : memref<16x2048xf32, #tpu.memory_space<vmem>> -> memref<16x128xf32, #tpu.memory_space<vmem>>
      %dma_start3A_138 = arith.constant 0 : i32
      %dma_start3A_139 = tpu.memref_slice %arg5[%dma_start3A_138, %multiple_of3A_134] : memref<16x1000000xf32, #tpu.memory_space<hbm>> -> memref<16x128xf32, #tpu.memory_space<hbm>>
      %dma_start3A_140 = arith.constant 0 : i32
      %dma_start3A_141 = arith.constant 512 : i32
      %dma_start3A_142 = tpu.memref_slice %arg10[%dma_start3A_140, %dma_start3A_141] : memref<16x2048xf32, #tpu.memory_space<vmem>> -> memref<16x128xf32, #tpu.memory_space<vmem>>
      %dma_start3A_143 = arith.constant 0 : i32
      %dma_start3A_144 = tpu.memref_slice %arg5[%dma_start3A_143, %multiple_of3A_134] : memref<16x1000000xf32, #tpu.memory_space<hbm>> -> memref<16x128xf32, #tpu.memory_space<hbm>>
      tpu.enqueue_dma source(%dma_start3A_144 : memref<16x128xf32, #tpu.memory_space<hbm>>) target(%dma_start3A_142 : memref<16x128xf32, #tpu.memory_space<vmem>>) target_semaphore(%arg13 : memref<!tpu.dma_semaphore, #tpu.memory_space<semaphore_mem>>)
      %slice3A_145 = vector.extract_strided_slice %and3A_16 {offsets = [5], sizes = [1], strides = [1]} : vector<16xi32> to vector<1xi32>
      %squeeze3A_146 = vector.extract %slice3A_145[0] : i32 from vector<1xi32>
      %multiple_of3A_147 = tpu.assume_multiple %squeeze3A_146, 128 : i32
      %dma_start3A_148 = arith.constant 0 : i32
      %dma_start3A_149 = arith.constant 640 : i32
      %dma_start3A_150 = tpu.memref_slice %arg9[%dma_start3A_148, %dma_start3A_149] : memref<16x2048xf32, #tpu.memory_space<vmem>> -> memref<16x128xf32, #tpu.memory_space<vmem>>
      %dma_start3A_151 = arith.constant 0 : i32
      %dma_start3A_152 = tpu.memref_slice %arg4[%dma_start3A_151, %multiple_of3A_147] : memref<16x1000000xf32, #tpu.memory_space<hbm>> -> memref<16x128xf32, #tpu.memory_space<hbm>>
      %dma_start3A_153 = arith.constant 0 : i32
      %dma_start3A_154 = arith.constant 640 : i32
      %dma_start3A_155 = tpu.memref_slice %arg9[%dma_start3A_153, %dma_start3A_154] : memref<16x2048xf32, #tpu.memory_space<vmem>> -> memref<16x128xf32, #tpu.memory_space<vmem>>
      %dma_start3A_156 = arith.constant 0 : i32
      %dma_start3A_157 = tpu.memref_slice %arg4[%dma_start3A_156, %multiple_of3A_147] : memref<16x1000000xf32, #tpu.memory_space<hbm>> -> memref<16x128xf32, #tpu.memory_space<hbm>>
      tpu.enqueue_dma source(%dma_start3A_157 : memref<16x128xf32, #tpu.memory_space<hbm>>) target(%dma_start3A_155 : memref<16x128xf32, #tpu.memory_space<vmem>>) target_semaphore(%arg12 : memref<!tpu.dma_semaphore, #tpu.memory_space<semaphore_mem>>)
      %slice3A_158 = vector.extract_strided_slice %and3A_18 {offsets = [5], sizes = [1], strides = [1]} : vector<16xi32> to vector<1xi32>
      %squeeze3A_159 = vector.extract %slice3A_158[0] : i32 from vector<1xi32>
      %multiple_of3A_160 = tpu.assume_multiple %squeeze3A_159, 128 : i32
      %dma_start3A_161 = arith.constant 0 : i32
      %dma_start3A_162 = arith.constant 640 : i32
      %dma_start3A_163 = tpu.memref_slice %arg10[%dma_start3A_161, %dma_start3A_162] : memref<16x2048xf32, #tpu.memory_space<vmem>> -> memref<16x128xf32, #tpu.memory_space<vmem>>
      %dma_start3A_164 = arith.constant 0 : i32
      %dma_start3A_165 = tpu.memref_slice %arg5[%dma_start3A_164, %multiple_of3A_160] : memref<16x1000000xf32, #tpu.memory_space<hbm>> -> memref<16x128xf32, #tpu.memory_space<hbm>>
      %dma_start3A_166 = arith.constant 0 : i32
      %dma_start3A_167 = arith.constant 640 : i32
      %dma_start3A_168 = tpu.memref_slice %arg10[%dma_start3A_166, %dma_start3A_167] : memref<16x2048xf32, #tpu.memory_space<vmem>> -> memref<16x128xf32, #tpu.memory_space<vmem>>
      %dma_start3A_169 = arith.constant 0 : i32
      %dma_start3A_170 = tpu.memref_slice %arg5[%dma_start3A_169, %multiple_of3A_160] : memref<16x1000000xf32, #tpu.memory_space<hbm>> -> memref<16x128xf32, #tpu.memory_space<hbm>>
      tpu.enqueue_dma source(%dma_start3A_170 : memref<16x128xf32, #tpu.memory_space<hbm>>) target(%dma_start3A_168 : memref<16x128xf32, #tpu.memory_space<vmem>>) target_semaphore(%arg13 : memref<!tpu.dma_semaphore, #tpu.memory_space<semaphore_mem>>)
      %slice3A_171 = vector.extract_strided_slice %and3A_16 {offsets = [6], sizes = [1], strides = [1]} : vector<16xi32> to vector<1xi32>
      %squeeze3A_172 = vector.extract %slice3A_171[0] : i32 from vector<1xi32>
      %multiple_of3A_173 = tpu.assume_multiple %squeeze3A_172, 128 : i32
      %dma_start3A_174 = arith.constant 0 : i32
      %dma_start3A_175 = arith.constant 768 : i32
      %dma_start3A_176 = tpu.memref_slice %arg9[%dma_start3A_174, %dma_start3A_175] : memref<16x2048xf32, #tpu.memory_space<vmem>> -> memref<16x128xf32, #tpu.memory_space<vmem>>
      %dma_start3A_177 = arith.constant 0 : i32
      %dma_start3A_178 = tpu.memref_slice %arg4[%dma_start3A_177, %multiple_of3A_173] : memref<16x1000000xf32, #tpu.memory_space<hbm>> -> memref<16x128xf32, #tpu.memory_space<hbm>>
      %dma_start3A_179 = arith.constant 0 : i32
      %dma_start3A_180 = arith.constant 768 : i32
      %dma_start3A_181 = tpu.memref_slice %arg9[%dma_start3A_179, %dma_start3A_180] : memref<16x2048xf32, #tpu.memory_space<vmem>> -> memref<16x128xf32, #tpu.memory_space<vmem>>
      %dma_start3A_182 = arith.constant 0 : i32
      %dma_start3A_183 = tpu.memref_slice %arg4[%dma_start3A_182, %multiple_of3A_173] : memref<16x1000000xf32, #tpu.memory_space<hbm>> -> memref<16x128xf32, #tpu.memory_space<hbm>>
      tpu.enqueue_dma source(%dma_start3A_183 : memref<16x128xf32, #tpu.memory_space<hbm>>) target(%dma_start3A_181 : memref<16x128xf32, #tpu.memory_space<vmem>>) target_semaphore(%arg12 : memref<!tpu.dma_semaphore, #tpu.memory_space<semaphore_mem>>)
      %slice3A_184 = vector.extract_strided_slice %and3A_18 {offsets = [6], sizes = [1], strides = [1]} : vector<16xi32> to vector<1xi32>
      %squeeze3A_185 = vector.extract %slice3A_184[0] : i32 from vector<1xi32>
      %multiple_of3A_186 = tpu.assume_multiple %squeeze3A_185, 128 : i32
      %dma_start3A_187 = arith.constant 0 : i32
      %dma_start3A_188 = arith.constant 768 : i32
      %dma_start3A_189 = tpu.memref_slice %arg10[%dma_start3A_187, %dma_start3A_188] : memref<16x2048xf32, #tpu.memory_space<vmem>> -> memref<16x128xf32, #tpu.memory_space<vmem>>
      %dma_start3A_190 = arith.constant 0 : i32
      %dma_start3A_191 = tpu.memref_slice %arg5[%dma_start3A_190, %multiple_of3A_186] : memref<16x1000000xf32, #tpu.memory_space<hbm>> -> memref<16x128xf32, #tpu.memory_space<hbm>>
      %dma_start3A_192 = arith.constant 0 : i32
      %dma_start3A_193 = arith.constant 768 : i32
      %dma_start3A_194 = tpu.memref_slice %arg10[%dma_start3A_192, %dma_start3A_193] : memref<16x2048xf32, #tpu.memory_space<vmem>> -> memref<16x128xf32, #tpu.memory_space<vmem>>
      %dma_start3A_195 = arith.constant 0 : i32
      %dma_start3A_196 = tpu.memref_slice %arg5[%dma_start3A_195, %multiple_of3A_186] : memref<16x1000000xf32, #tpu.memory_space<hbm>> -> memref<16x128xf32, #tpu.memory_space<hbm>>
      tpu.enqueue_dma source(%dma_start3A_196 : memref<16x128xf32, #tpu.memory_space<hbm>>) target(%dma_start3A_194 : memref<16x128xf32, #tpu.memory_space<vmem>>) target_semaphore(%arg13 : memref<!tpu.dma_semaphore, #tpu.memory_space<semaphore_mem>>)
      %slice3A_197 = vector.extract_strided_slice %and3A_16 {offsets = [7], sizes = [1], strides = [1]} : vector<16xi32> to vector<1xi32>
      %squeeze3A_198 = vector.extract %slice3A_197[0] : i32 from vector<1xi32>
      %multiple_of3A_199 = tpu.assume_multiple %squeeze3A_198, 128 : i32
      %dma_start3A_200 = arith.constant 0 : i32
      %dma_start3A_201 = arith.constant 896 : i32
      %dma_start3A_202 = tpu.memref_slice %arg9[%dma_start3A_200, %dma_start3A_201] : memref<16x2048xf32, #tpu.memory_space<vmem>> -> memref<16x128xf32, #tpu.memory_space<vmem>>
      %dma_start3A_203 = arith.constant 0 : i32
      %dma_start3A_204 = tpu.memref_slice %arg4[%dma_start3A_203, %multiple_of3A_199] : memref<16x1000000xf32, #tpu.memory_space<hbm>> -> memref<16x128xf32, #tpu.memory_space<hbm>>
      %dma_start3A_205 = arith.constant 0 : i32
      %dma_start3A_206 = arith.constant 896 : i32
      %dma_start3A_207 = tpu.memref_slice %arg9[%dma_start3A_205, %dma_start3A_206] : memref<16x2048xf32, #tpu.memory_space<vmem>> -> memref<16x128xf32, #tpu.memory_space<vmem>>
      %dma_start3A_208 = arith.constant 0 : i32
      %dma_start3A_209 = tpu.memref_slice %arg4[%dma_start3A_208, %multiple_of3A_199] : memref<16x1000000xf32, #tpu.memory_space<hbm>> -> memref<16x128xf32, #tpu.memory_space<hbm>>
      tpu.enqueue_dma source(%dma_start3A_209 : memref<16x128xf32, #tpu.memory_space<hbm>>) target(%dma_start3A_207 : memref<16x128xf32, #tpu.memory_space<vmem>>) target_semaphore(%arg12 : memref<!tpu.dma_semaphore, #tpu.memory_space<semaphore_mem>>)
      %slice3A_210 = vector.extract_strided_slice %and3A_18 {offsets = [7], sizes = [1], strides = [1]} : vector<16xi32> to vector<1xi32>
      %squeeze3A_211 = vector.extract %slice3A_210[0] : i32 from vector<1xi32>
      %multiple_of3A_212 = tpu.assume_multiple %squeeze3A_211, 128 : i32
      %dma_start3A_213 = arith.constant 0 : i32
      %dma_start3A_214 = arith.constant 896 : i32
      %dma_start3A_215 = tpu.memref_slice %arg10[%dma_start3A_213, %dma_start3A_214] : memref<16x2048xf32, #tpu.memory_space<vmem>> -> memref<16x128xf32, #tpu.memory_space<vmem>>
      %dma_start3A_216 = arith.constant 0 : i32
      %dma_start3A_217 = tpu.memref_slice %arg5[%dma_start3A_216, %multiple_of3A_212] : memref<16x1000000xf32, #tpu.memory_space<hbm>> -> memref<16x128xf32, #tpu.memory_space<hbm>>
      %dma_start3A_218 = arith.constant 0 : i32
      %dma_start3A_219 = arith.constant 896 : i32
      %dma_start3A_220 = tpu.memref_slice %arg10[%dma_start3A_218, %dma_start3A_219] : memref<16x2048xf32, #tpu.memory_space<vmem>> -> memref<16x128xf32, #tpu.memory_space<vmem>>
      %dma_start3A_221 = arith.constant 0 : i32
      %dma_start3A_222 = tpu.memref_slice %arg5[%dma_start3A_221, %multiple_of3A_212] : memref<16x1000000xf32, #tpu.memory_space<hbm>> -> memref<16x128xf32, #tpu.memory_space<hbm>>
      tpu.enqueue_dma source(%dma_start3A_222 : memref<16x128xf32, #tpu.memory_space<hbm>>) target(%dma_start3A_220 : memref<16x128xf32, #tpu.memory_space<vmem>>) target_semaphore(%arg13 : memref<!tpu.dma_semaphore, #tpu.memory_space<semaphore_mem>>)
      %slice3A_223 = vector.extract_strided_slice %and3A_16 {offsets = [8], sizes = [1], strides = [1]} : vector<16xi32> to vector<1xi32>
      %squeeze3A_224 = vector.extract %slice3A_223[0] : i32 from vector<1xi32>
      %multiple_of3A_225 = tpu.assume_multiple %squeeze3A_224, 128 : i32
      %dma_start3A_226 = arith.constant 0 : i32
      %dma_start3A_227 = arith.constant 1024 : i32
      %dma_start3A_228 = tpu.memref_slice %arg9[%dma_start3A_226, %dma_start3A_227] : memref<16x2048xf32, #tpu.memory_space<vmem>> -> memref<16x128xf32, #tpu.memory_space<vmem>>
      %dma_start3A_229 = arith.constant 0 : i32
      %dma_start3A_230 = tpu.memref_slice %arg4[%dma_start3A_229, %multiple_of3A_225] : memref<16x1000000xf32, #tpu.memory_space<hbm>> -> memref<16x128xf32, #tpu.memory_space<hbm>>
      %dma_start3A_231 = arith.constant 0 : i32
      %dma_start3A_232 = arith.constant 1024 : i32
      %dma_start3A_233 = tpu.memref_slice %arg9[%dma_start3A_231, %dma_start3A_232] : memref<16x2048xf32, #tpu.memory_space<vmem>> -> memref<16x128xf32, #tpu.memory_space<vmem>>
      %dma_start3A_234 = arith.constant 0 : i32
      %dma_start3A_235 = tpu.memref_slice %arg4[%dma_start3A_234, %multiple_of3A_225] : memref<16x1000000xf32, #tpu.memory_space<hbm>> -> memref<16x128xf32, #tpu.memory_space<hbm>>
      tpu.enqueue_dma source(%dma_start3A_235 : memref<16x128xf32, #tpu.memory_space<hbm>>) target(%dma_start3A_233 : memref<16x128xf32, #tpu.memory_space<vmem>>) target_semaphore(%arg12 : memref<!tpu.dma_semaphore, #tpu.memory_space<semaphore_mem>>)
      %slice3A_236 = vector.extract_strided_slice %and3A_18 {offsets = [8], sizes = [1], strides = [1]} : vector<16xi32> to vector<1xi32>
      %squeeze3A_237 = vector.extract %slice3A_236[0] : i32 from vector<1xi32>
      %multiple_of3A_238 = tpu.assume_multiple %squeeze3A_237, 128 : i32
      %dma_start3A_239 = arith.constant 0 : i32
      %dma_start3A_240 = arith.constant 1024 : i32
      %dma_start3A_241 = tpu.memref_slice %arg10[%dma_start3A_239, %dma_start3A_240] : memref<16x2048xf32, #tpu.memory_space<vmem>> -> memref<16x128xf32, #tpu.memory_space<vmem>>
      %dma_start3A_242 = arith.constant 0 : i32
      %dma_start3A_243 = tpu.memref_slice %arg5[%dma_start3A_242, %multiple_of3A_238] : memref<16x1000000xf32, #tpu.memory_space<hbm>> -> memref<16x128xf32, #tpu.memory_space<hbm>>
      %dma_start3A_244 = arith.constant 0 : i32
      %dma_start3A_245 = arith.constant 1024 : i32
      %dma_start3A_246 = tpu.memref_slice %arg10[%dma_start3A_244, %dma_start3A_245] : memref<16x2048xf32, #tpu.memory_space<vmem>> -> memref<16x128xf32, #tpu.memory_space<vmem>>
      %dma_start3A_247 = arith.constant 0 : i32
      %dma_start3A_248 = tpu.memref_slice %arg5[%dma_start3A_247, %multiple_of3A_238] : memref<16x1000000xf32, #tpu.memory_space<hbm>> -> memref<16x128xf32, #tpu.memory_space<hbm>>
      tpu.enqueue_dma source(%dma_start3A_248 : memref<16x128xf32, #tpu.memory_space<hbm>>) target(%dma_start3A_246 : memref<16x128xf32, #tpu.memory_space<vmem>>) target_semaphore(%arg13 : memref<!tpu.dma_semaphore, #tpu.memory_space<semaphore_mem>>)
      %slice3A_249 = vector.extract_strided_slice %and3A_16 {offsets = [9], sizes = [1], strides = [1]} : vector<16xi32> to vector<1xi32>
      %squeeze3A_250 = vector.extract %slice3A_249[0] : i32 from vector<1xi32>
      %multiple_of3A_251 = tpu.assume_multiple %squeeze3A_250, 128 : i32
      %dma_start3A_252 = arith.constant 0 : i32
      %dma_start3A_253 = arith.constant 1152 : i32
      %dma_start3A_254 = tpu.memref_slice %arg9[%dma_start3A_252, %dma_start3A_253] : memref<16x2048xf32, #tpu.memory_space<vmem>> -> memref<16x128xf32, #tpu.memory_space<vmem>>
      %dma_start3A_255 = arith.constant 0 : i32
      %dma_start3A_256 = tpu.memref_slice %arg4[%dma_start3A_255, %multiple_of3A_251] : memref<16x1000000xf32, #tpu.memory_space<hbm>> -> memref<16x128xf32, #tpu.memory_space<hbm>>
      %dma_start3A_257 = arith.constant 0 : i32
      %dma_start3A_258 = arith.constant 1152 : i32
      %dma_start3A_259 = tpu.memref_slice %arg9[%dma_start3A_257, %dma_start3A_258] : memref<16x2048xf32, #tpu.memory_space<vmem>> -> memref<16x128xf32, #tpu.memory_space<vmem>>
      %dma_start3A_260 = arith.constant 0 : i32
      %dma_start3A_261 = tpu.memref_slice %arg4[%dma_start3A_260, %multiple_of3A_251] : memref<16x1000000xf32, #tpu.memory_space<hbm>> -> memref<16x128xf32, #tpu.memory_space<hbm>>
      tpu.enqueue_dma source(%dma_start3A_261 : memref<16x128xf32, #tpu.memory_space<hbm>>) target(%dma_start3A_259 : memref<16x128xf32, #tpu.memory_space<vmem>>) target_semaphore(%arg12 : memref<!tpu.dma_semaphore, #tpu.memory_space<semaphore_mem>>)
      %slice3A_262 = vector.extract_strided_slice %and3A_18 {offsets = [9], sizes = [1], strides = [1]} : vector<16xi32> to vector<1xi32>
      %squeeze3A_263 = vector.extract %slice3A_262[0] : i32 from vector<1xi32>
      %multiple_of3A_264 = tpu.assume_multiple %squeeze3A_263, 128 : i32
      %dma_start3A_265 = arith.constant 0 : i32
      %dma_start3A_266 = arith.constant 1152 : i32
      %dma_start3A_267 = tpu.memref_slice %arg10[%dma_start3A_265, %dma_start3A_266] : memref<16x2048xf32, #tpu.memory_space<vmem>> -> memref<16x128xf32, #tpu.memory_space<vmem>>
      %dma_start3A_268 = arith.constant 0 : i32
      %dma_start3A_269 = tpu.memref_slice %arg5[%dma_start3A_268, %multiple_of3A_264] : memref<16x1000000xf32, #tpu.memory_space<hbm>> -> memref<16x128xf32, #tpu.memory_space<hbm>>
      %dma_start3A_270 = arith.constant 0 : i32
      %dma_start3A_271 = arith.constant 1152 : i32
      %dma_start3A_272 = tpu.memref_slice %arg10[%dma_start3A_270, %dma_start3A_271] : memref<16x2048xf32, #tpu.memory_space<vmem>> -> memref<16x128xf32, #tpu.memory_space<vmem>>
      %dma_start3A_273 = arith.constant 0 : i32
      %dma_start3A_274 = tpu.memref_slice %arg5[%dma_start3A_273, %multiple_of3A_264] : memref<16x1000000xf32, #tpu.memory_space<hbm>> -> memref<16x128xf32, #tpu.memory_space<hbm>>
      tpu.enqueue_dma source(%dma_start3A_274 : memref<16x128xf32, #tpu.memory_space<hbm>>) target(%dma_start3A_272 : memref<16x128xf32, #tpu.memory_space<vmem>>) target_semaphore(%arg13 : memref<!tpu.dma_semaphore, #tpu.memory_space<semaphore_mem>>)
      %slice3A_275 = vector.extract_strided_slice %and3A_16 {offsets = [10], sizes = [1], strides = [1]} : vector<16xi32> to vector<1xi32>
      %squeeze3A_276 = vector.extract %slice3A_275[0] : i32 from vector<1xi32>
      %multiple_of3A_277 = tpu.assume_multiple %squeeze3A_276, 128 : i32
      %dma_start3A_278 = arith.constant 0 : i32
      %dma_start3A_279 = arith.constant 1280 : i32
      %dma_start3A_280 = tpu.memref_slice %arg9[%dma_start3A_278, %dma_start3A_279] : memref<16x2048xf32, #tpu.memory_space<vmem>> -> memref<16x128xf32, #tpu.memory_space<vmem>>
      %dma_start3A_281 = arith.constant 0 : i32
      %dma_start3A_282 = tpu.memref_slice %arg4[%dma_start3A_281, %multiple_of3A_277] : memref<16x1000000xf32, #tpu.memory_space<hbm>> -> memref<16x128xf32, #tpu.memory_space<hbm>>
      %dma_start3A_283 = arith.constant 0 : i32
      %dma_start3A_284 = arith.constant 1280 : i32
      %dma_start3A_285 = tpu.memref_slice %arg9[%dma_start3A_283, %dma_start3A_284] : memref<16x2048xf32, #tpu.memory_space<vmem>> -> memref<16x128xf32, #tpu.memory_space<vmem>>
      %dma_start3A_286 = arith.constant 0 : i32
      %dma_start3A_287 = tpu.memref_slice %arg4[%dma_start3A_286, %multiple_of3A_277] : memref<16x1000000xf32, #tpu.memory_space<hbm>> -> memref<16x128xf32, #tpu.memory_space<hbm>>
      tpu.enqueue_dma source(%dma_start3A_287 : memref<16x128xf32, #tpu.memory_space<hbm>>) target(%dma_start3A_285 : memref<16x128xf32, #tpu.memory_space<vmem>>) target_semaphore(%arg12 : memref<!tpu.dma_semaphore, #tpu.memory_space<semaphore_mem>>)
      %slice3A_288 = vector.extract_strided_slice %and3A_18 {offsets = [10], sizes = [1], strides = [1]} : vector<16xi32> to vector<1xi32>
      %squeeze3A_289 = vector.extract %slice3A_288[0] : i32 from vector<1xi32>
      %multiple_of3A_290 = tpu.assume_multiple %squeeze3A_289, 128 : i32
      %dma_start3A_291 = arith.constant 0 : i32
      %dma_start3A_292 = arith.constant 1280 : i32
      %dma_start3A_293 = tpu.memref_slice %arg10[%dma_start3A_291, %dma_start3A_292] : memref<16x2048xf32, #tpu.memory_space<vmem>> -> memref<16x128xf32, #tpu.memory_space<vmem>>
      %dma_start3A_294 = arith.constant 0 : i32
      %dma_start3A_295 = tpu.memref_slice %arg5[%dma_start3A_294, %multiple_of3A_290] : memref<16x1000000xf32, #tpu.memory_space<hbm>> -> memref<16x128xf32, #tpu.memory_space<hbm>>
      %dma_start3A_296 = arith.constant 0 : i32
      %dma_start3A_297 = arith.constant 1280 : i32
      %dma_start3A_298 = tpu.memref_slice %arg10[%dma_start3A_296, %dma_start3A_297] : memref<16x2048xf32, #tpu.memory_space<vmem>> -> memref<16x128xf32, #tpu.memory_space<vmem>>
      %dma_start3A_299 = arith.constant 0 : i32
      %dma_start3A_300 = tpu.memref_slice %arg5[%dma_start3A_299, %multiple_of3A_290] : memref<16x1000000xf32, #tpu.memory_space<hbm>> -> memref<16x128xf32, #tpu.memory_space<hbm>>
      tpu.enqueue_dma source(%dma_start3A_300 : memref<16x128xf32, #tpu.memory_space<hbm>>) target(%dma_start3A_298 : memref<16x128xf32, #tpu.memory_space<vmem>>) target_semaphore(%arg13 : memref<!tpu.dma_semaphore, #tpu.memory_space<semaphore_mem>>)
      %slice3A_301 = vector.extract_strided_slice %and3A_16 {offsets = [11], sizes = [1], strides = [1]} : vector<16xi32> to vector<1xi32>
      %squeeze3A_302 = vector.extract %slice3A_301[0] : i32 from vector<1xi32>
      %multiple_of3A_303 = tpu.assume_multiple %squeeze3A_302, 128 : i32
      %dma_start3A_304 = arith.constant 0 : i32
      %dma_start3A_305 = arith.constant 1408 : i32
      %dma_start3A_306 = tpu.memref_slice %arg9[%dma_start3A_304, %dma_start3A_305] : memref<16x2048xf32, #tpu.memory_space<vmem>> -> memref<16x128xf32, #tpu.memory_space<vmem>>
      %dma_start3A_307 = arith.constant 0 : i32
      %dma_start3A_308 = tpu.memref_slice %arg4[%dma_start3A_307, %multiple_of3A_303] : memref<16x1000000xf32, #tpu.memory_space<hbm>> -> memref<16x128xf32, #tpu.memory_space<hbm>>
      %dma_start3A_309 = arith.constant 0 : i32
      %dma_start3A_310 = arith.constant 1408 : i32
      %dma_start3A_311 = tpu.memref_slice %arg9[%dma_start3A_309, %dma_start3A_310] : memref<16x2048xf32, #tpu.memory_space<vmem>> -> memref<16x128xf32, #tpu.memory_space<vmem>>
      %dma_start3A_312 = arith.constant 0 : i32
      %dma_start3A_313 = tpu.memref_slice %arg4[%dma_start3A_312, %multiple_of3A_303] : memref<16x1000000xf32, #tpu.memory_space<hbm>> -> memref<16x128xf32, #tpu.memory_space<hbm>>
      tpu.enqueue_dma source(%dma_start3A_313 : memref<16x128xf32, #tpu.memory_space<hbm>>) target(%dma_start3A_311 : memref<16x128xf32, #tpu.memory_space<vmem>>) target_semaphore(%arg12 : memref<!tpu.dma_semaphore, #tpu.memory_space<semaphore_mem>>)
      %slice3A_314 = vector.extract_strided_slice %and3A_18 {offsets = [11], sizes = [1], strides = [1]} : vector<16xi32> to vector<1xi32>
      %squeeze3A_315 = vector.extract %slice3A_314[0] : i32 from vector<1xi32>
      %multiple_of3A_316 = tpu.assume_multiple %squeeze3A_315, 128 : i32
      %dma_start3A_317 = arith.constant 0 : i32
      %dma_start3A_318 = arith.constant 1408 : i32
      %dma_start3A_319 = tpu.memref_slice %arg10[%dma_start3A_317, %dma_start3A_318] : memref<16x2048xf32, #tpu.memory_space<vmem>> -> memref<16x128xf32, #tpu.memory_space<vmem>>
      %dma_start3A_320 = arith.constant 0 : i32
      %dma_start3A_321 = tpu.memref_slice %arg5[%dma_start3A_320, %multiple_of3A_316] : memref<16x1000000xf32, #tpu.memory_space<hbm>> -> memref<16x128xf32, #tpu.memory_space<hbm>>
      %dma_start3A_322 = arith.constant 0 : i32
      %dma_start3A_323 = arith.constant 1408 : i32
      %dma_start3A_324 = tpu.memref_slice %arg10[%dma_start3A_322, %dma_start3A_323] : memref<16x2048xf32, #tpu.memory_space<vmem>> -> memref<16x128xf32, #tpu.memory_space<vmem>>
      %dma_start3A_325 = arith.constant 0 : i32
      %dma_start3A_326 = tpu.memref_slice %arg5[%dma_start3A_325, %multiple_of3A_316] : memref<16x1000000xf32, #tpu.memory_space<hbm>> -> memref<16x128xf32, #tpu.memory_space<hbm>>
      tpu.enqueue_dma source(%dma_start3A_326 : memref<16x128xf32, #tpu.memory_space<hbm>>) target(%dma_start3A_324 : memref<16x128xf32, #tpu.memory_space<vmem>>) target_semaphore(%arg13 : memref<!tpu.dma_semaphore, #tpu.memory_space<semaphore_mem>>)
      %slice3A_327 = vector.extract_strided_slice %and3A_16 {offsets = [12], sizes = [1], strides = [1]} : vector<16xi32> to vector<1xi32>
      %squeeze3A_328 = vector.extract %slice3A_327[0] : i32 from vector<1xi32>
      %multiple_of3A_329 = tpu.assume_multiple %squeeze3A_328, 128 : i32
      %dma_start3A_330 = arith.constant 0 : i32
      %dma_start3A_331 = arith.constant 1536 : i32
      %dma_start3A_332 = tpu.memref_slice %arg9[%dma_start3A_330, %dma_start3A_331] : memref<16x2048xf32, #tpu.memory_space<vmem>> -> memref<16x128xf32, #tpu.memory_space<vmem>>
      %dma_start3A_333 = arith.constant 0 : i32
      %dma_start3A_334 = tpu.memref_slice %arg4[%dma_start3A_333, %multiple_of3A_329] : memref<16x1000000xf32, #tpu.memory_space<hbm>> -> memref<16x128xf32, #tpu.memory_space<hbm>>
      %dma_start3A_335 = arith.constant 0 : i32
      %dma_start3A_336 = arith.constant 1536 : i32
      %dma_start3A_337 = tpu.memref_slice %arg9[%dma_start3A_335, %dma_start3A_336] : memref<16x2048xf32, #tpu.memory_space<vmem>> -> memref<16x128xf32, #tpu.memory_space<vmem>>
      %dma_start3A_338 = arith.constant 0 : i32
      %dma_start3A_339 = tpu.memref_slice %arg4[%dma_start3A_338, %multiple_of3A_329] : memref<16x1000000xf32, #tpu.memory_space<hbm>> -> memref<16x128xf32, #tpu.memory_space<hbm>>
      tpu.enqueue_dma source(%dma_start3A_339 : memref<16x128xf32, #tpu.memory_space<hbm>>) target(%dma_start3A_337 : memref<16x128xf32, #tpu.memory_space<vmem>>) target_semaphore(%arg12 : memref<!tpu.dma_semaphore, #tpu.memory_space<semaphore_mem>>)
      %slice3A_340 = vector.extract_strided_slice %and3A_18 {offsets = [12], sizes = [1], strides = [1]} : vector<16xi32> to vector<1xi32>
      %squeeze3A_341 = vector.extract %slice3A_340[0] : i32 from vector<1xi32>
      %multiple_of3A_342 = tpu.assume_multiple %squeeze3A_341, 128 : i32
      %dma_start3A_343 = arith.constant 0 : i32
      %dma_start3A_344 = arith.constant 1536 : i32
      %dma_start3A_345 = tpu.memref_slice %arg10[%dma_start3A_343, %dma_start3A_344] : memref<16x2048xf32, #tpu.memory_space<vmem>> -> memref<16x128xf32, #tpu.memory_space<vmem>>
      %dma_start3A_346 = arith.constant 0 : i32
      %dma_start3A_347 = tpu.memref_slice %arg5[%dma_start3A_346, %multiple_of3A_342] : memref<16x1000000xf32, #tpu.memory_space<hbm>> -> memref<16x128xf32, #tpu.memory_space<hbm>>
      %dma_start3A_348 = arith.constant 0 : i32
      %dma_start3A_349 = arith.constant 1536 : i32
      %dma_start3A_350 = tpu.memref_slice %arg10[%dma_start3A_348, %dma_start3A_349] : memref<16x2048xf32, #tpu.memory_space<vmem>> -> memref<16x128xf32, #tpu.memory_space<vmem>>
      %dma_start3A_351 = arith.constant 0 : i32
      %dma_start3A_352 = tpu.memref_slice %arg5[%dma_start3A_351, %multiple_of3A_342] : memref<16x1000000xf32, #tpu.memory_space<hbm>> -> memref<16x128xf32, #tpu.memory_space<hbm>>
      tpu.enqueue_dma source(%dma_start3A_352 : memref<16x128xf32, #tpu.memory_space<hbm>>) target(%dma_start3A_350 : memref<16x128xf32, #tpu.memory_space<vmem>>) target_semaphore(%arg13 : memref<!tpu.dma_semaphore, #tpu.memory_space<semaphore_mem>>)
      %slice3A_353 = vector.extract_strided_slice %and3A_16 {offsets = [13], sizes = [1], strides = [1]} : vector<16xi32> to vector<1xi32>
      %squeeze3A_354 = vector.extract %slice3A_353[0] : i32 from vector<1xi32>
      %multiple_of3A_355 = tpu.assume_multiple %squeeze3A_354, 128 : i32
      %dma_start3A_356 = arith.constant 0 : i32
      %dma_start3A_357 = arith.constant 1664 : i32
      %dma_start3A_358 = tpu.memref_slice %arg9[%dma_start3A_356, %dma_start3A_357] : memref<16x2048xf32, #tpu.memory_space<vmem>> -> memref<16x128xf32, #tpu.memory_space<vmem>>
      %dma_start3A_359 = arith.constant 0 : i32
      %dma_start3A_360 = tpu.memref_slice %arg4[%dma_start3A_359, %multiple_of3A_355] : memref<16x1000000xf32, #tpu.memory_space<hbm>> -> memref<16x128xf32, #tpu.memory_space<hbm>>
      %dma_start3A_361 = arith.constant 0 : i32
      %dma_start3A_362 = arith.constant 1664 : i32
      %dma_start3A_363 = tpu.memref_slice %arg9[%dma_start3A_361, %dma_start3A_362] : memref<16x2048xf32, #tpu.memory_space<vmem>> -> memref<16x128xf32, #tpu.memory_space<vmem>>
      %dma_start3A_364 = arith.constant 0 : i32
      %dma_start3A_365 = tpu.memref_slice %arg4[%dma_start3A_364, %multiple_of3A_355] : memref<16x1000000xf32, #tpu.memory_space<hbm>> -> memref<16x128xf32, #tpu.memory_space<hbm>>
      tpu.enqueue_dma source(%dma_start3A_365 : memref<16x128xf32, #tpu.memory_space<hbm>>) target(%dma_start3A_363 : memref<16x128xf32, #tpu.memory_space<vmem>>) target_semaphore(%arg12 : memref<!tpu.dma_semaphore, #tpu.memory_space<semaphore_mem>>)
      %slice3A_366 = vector.extract_strided_slice %and3A_18 {offsets = [13], sizes = [1], strides = [1]} : vector<16xi32> to vector<1xi32>
      %squeeze3A_367 = vector.extract %slice3A_366[0] : i32 from vector<1xi32>
      %multiple_of3A_368 = tpu.assume_multiple %squeeze3A_367, 128 : i32
      %dma_start3A_369 = arith.constant 0 : i32
      %dma_start3A_370 = arith.constant 1664 : i32
      %dma_start3A_371 = tpu.memref_slice %arg10[%dma_start3A_369, %dma_start3A_370] : memref<16x2048xf32, #tpu.memory_space<vmem>> -> memref<16x128xf32, #tpu.memory_space<vmem>>
      %dma_start3A_372 = arith.constant 0 : i32
      %dma_start3A_373 = tpu.memref_slice %arg5[%dma_start3A_372, %multiple_of3A_368] : memref<16x1000000xf32, #tpu.memory_space<hbm>> -> memref<16x128xf32, #tpu.memory_space<hbm>>
      %dma_start3A_374 = arith.constant 0 : i32
      %dma_start3A_375 = arith.constant 1664 : i32
      %dma_start3A_376 = tpu.memref_slice %arg10[%dma_start3A_374, %dma_start3A_375] : memref<16x2048xf32, #tpu.memory_space<vmem>> -> memref<16x128xf32, #tpu.memory_space<vmem>>
      %dma_start3A_377 = arith.constant 0 : i32
      %dma_start3A_378 = tpu.memref_slice %arg5[%dma_start3A_377, %multiple_of3A_368] : memref<16x1000000xf32, #tpu.memory_space<hbm>> -> memref<16x128xf32, #tpu.memory_space<hbm>>
      tpu.enqueue_dma source(%dma_start3A_378 : memref<16x128xf32, #tpu.memory_space<hbm>>) target(%dma_start3A_376 : memref<16x128xf32, #tpu.memory_space<vmem>>) target_semaphore(%arg13 : memref<!tpu.dma_semaphore, #tpu.memory_space<semaphore_mem>>)
      %slice3A_379 = vector.extract_strided_slice %and3A_16 {offsets = [14], sizes = [1], strides = [1]} : vector<16xi32> to vector<1xi32>
      %squeeze3A_380 = vector.extract %slice3A_379[0] : i32 from vector<1xi32>
      %multiple_of3A_381 = tpu.assume_multiple %squeeze3A_380, 128 : i32
      %dma_start3A_382 = arith.constant 0 : i32
      %dma_start3A_383 = arith.constant 1792 : i32
      %dma_start3A_384 = tpu.memref_slice %arg9[%dma_start3A_382, %dma_start3A_383] : memref<16x2048xf32, #tpu.memory_space<vmem>> -> memref<16x128xf32, #tpu.memory_space<vmem>>
      %dma_start3A_385 = arith.constant 0 : i32
      %dma_start3A_386 = tpu.memref_slice %arg4[%dma_start3A_385, %multiple_of3A_381] : memref<16x1000000xf32, #tpu.memory_space<hbm>> -> memref<16x128xf32, #tpu.memory_space<hbm>>
      %dma_start3A_387 = arith.constant 0 : i32
      %dma_start3A_388 = arith.constant 1792 : i32
      %dma_start3A_389 = tpu.memref_slice %arg9[%dma_start3A_387, %dma_start3A_388] : memref<16x2048xf32, #tpu.memory_space<vmem>> -> memref<16x128xf32, #tpu.memory_space<vmem>>
      %dma_start3A_390 = arith.constant 0 : i32
      %dma_start3A_391 = tpu.memref_slice %arg4[%dma_start3A_390, %multiple_of3A_381] : memref<16x1000000xf32, #tpu.memory_space<hbm>> -> memref<16x128xf32, #tpu.memory_space<hbm>>
      tpu.enqueue_dma source(%dma_start3A_391 : memref<16x128xf32, #tpu.memory_space<hbm>>) target(%dma_start3A_389 : memref<16x128xf32, #tpu.memory_space<vmem>>) target_semaphore(%arg12 : memref<!tpu.dma_semaphore, #tpu.memory_space<semaphore_mem>>)
      %slice3A_392 = vector.extract_strided_slice %and3A_18 {offsets = [14], sizes = [1], strides = [1]} : vector<16xi32> to vector<1xi32>
      %squeeze3A_393 = vector.extract %slice3A_392[0] : i32 from vector<1xi32>
      %multiple_of3A_394 = tpu.assume_multiple %squeeze3A_393, 128 : i32
      %dma_start3A_395 = arith.constant 0 : i32
      %dma_start3A_396 = arith.constant 1792 : i32
      %dma_start3A_397 = tpu.memref_slice %arg10[%dma_start3A_395, %dma_start3A_396] : memref<16x2048xf32, #tpu.memory_space<vmem>> -> memref<16x128xf32, #tpu.memory_space<vmem>>
      %dma_start3A_398 = arith.constant 0 : i32
      %dma_start3A_399 = tpu.memref_slice %arg5[%dma_start3A_398, %multiple_of3A_394] : memref<16x1000000xf32, #tpu.memory_space<hbm>> -> memref<16x128xf32, #tpu.memory_space<hbm>>
      %dma_start3A_400 = arith.constant 0 : i32
      %dma_start3A_401 = arith.constant 1792 : i32
      %dma_start3A_402 = tpu.memref_slice %arg10[%dma_start3A_400, %dma_start3A_401] : memref<16x2048xf32, #tpu.memory_space<vmem>> -> memref<16x128xf32, #tpu.memory_space<vmem>>
      %dma_start3A_403 = arith.constant 0 : i32
      %dma_start3A_404 = tpu.memref_slice %arg5[%dma_start3A_403, %multiple_of3A_394] : memref<16x1000000xf32, #tpu.memory_space<hbm>> -> memref<16x128xf32, #tpu.memory_space<hbm>>
      tpu.enqueue_dma source(%dma_start3A_404 : memref<16x128xf32, #tpu.memory_space<hbm>>) target(%dma_start3A_402 : memref<16x128xf32, #tpu.memory_space<vmem>>) target_semaphore(%arg13 : memref<!tpu.dma_semaphore, #tpu.memory_space<semaphore_mem>>)
      %slice3A_405 = vector.extract_strided_slice %and3A_16 {offsets = [15], sizes = [1], strides = [1]} : vector<16xi32> to vector<1xi32>
      %squeeze3A_406 = vector.extract %slice3A_405[0] : i32 from vector<1xi32>
      %multiple_of3A_407 = tpu.assume_multiple %squeeze3A_406, 128 : i32
      %dma_start3A_408 = arith.constant 0 : i32
      %dma_start3A_409 = arith.constant 1920 : i32
      %dma_start3A_410 = tpu.memref_slice %arg9[%dma_start3A_408, %dma_start3A_409] : memref<16x2048xf32, #tpu.memory_space<vmem>> -> memref<16x128xf32, #tpu.memory_space<vmem>>
      %dma_start3A_411 = arith.constant 0 : i32
      %dma_start3A_412 = tpu.memref_slice %arg4[%dma_start3A_411, %multiple_of3A_407] : memref<16x1000000xf32, #tpu.memory_space<hbm>> -> memref<16x128xf32, #tpu.memory_space<hbm>>
      %dma_start3A_413 = arith.constant 0 : i32
      %dma_start3A_414 = arith.constant 1920 : i32
      %dma_start3A_415 = tpu.memref_slice %arg9[%dma_start3A_413, %dma_start3A_414] : memref<16x2048xf32, #tpu.memory_space<vmem>> -> memref<16x128xf32, #tpu.memory_space<vmem>>
      %dma_start3A_416 = arith.constant 0 : i32
      %dma_start3A_417 = tpu.memref_slice %arg4[%dma_start3A_416, %multiple_of3A_407] : memref<16x1000000xf32, #tpu.memory_space<hbm>> -> memref<16x128xf32, #tpu.memory_space<hbm>>
      tpu.enqueue_dma source(%dma_start3A_417 : memref<16x128xf32, #tpu.memory_space<hbm>>) target(%dma_start3A_415 : memref<16x128xf32, #tpu.memory_space<vmem>>) target_semaphore(%arg12 : memref<!tpu.dma_semaphore, #tpu.memory_space<semaphore_mem>>)
      %slice3A_418 = vector.extract_strided_slice %and3A_18 {offsets = [15], sizes = [1], strides = [1]} : vector<16xi32> to vector<1xi32>
      %squeeze3A_419 = vector.extract %slice3A_418[0] : i32 from vector<1xi32>
      %multiple_of3A_420 = tpu.assume_multiple %squeeze3A_419, 128 : i32
      %dma_start3A_421 = arith.constant 0 : i32
      %dma_start3A_422 = arith.constant 1920 : i32
      %dma_start3A_423 = tpu.memref_slice %arg10[%dma_start3A_421, %dma_start3A_422] : memref<16x2048xf32, #tpu.memory_space<vmem>> -> memref<16x128xf32, #tpu.memory_space<vmem>>
      %dma_start3A_424 = arith.constant 0 : i32
      %dma_start3A_425 = tpu.memref_slice %arg5[%dma_start3A_424, %multiple_of3A_420] : memref<16x1000000xf32, #tpu.memory_space<hbm>> -> memref<16x128xf32, #tpu.memory_space<hbm>>
      %dma_start3A_426 = arith.constant 0 : i32
      %dma_start3A_427 = arith.constant 1920 : i32
      %dma_start3A_428 = tpu.memref_slice %arg10[%dma_start3A_426, %dma_start3A_427] : memref<16x2048xf32, #tpu.memory_space<vmem>> -> memref<16x128xf32, #tpu.memory_space<vmem>>
      %dma_start3A_429 = arith.constant 0 : i32
      %dma_start3A_430 = tpu.memref_slice %arg5[%dma_start3A_429, %multiple_of3A_420] : memref<16x1000000xf32, #tpu.memory_space<hbm>> -> memref<16x128xf32, #tpu.memory_space<hbm>>
      tpu.enqueue_dma source(%dma_start3A_430 : memref<16x128xf32, #tpu.memory_space<hbm>>) target(%dma_start3A_428 : memref<16x128xf32, #tpu.memory_space<vmem>>) target_semaphore(%arg13 : memref<!tpu.dma_semaphore, #tpu.memory_space<semaphore_mem>>)
      %scan3A_431 = arith.constant 0 : i32
      %scan3A_432 = arith.constant 0 : i32
      %scan3A_433 = arith.constant 16 : i32
      %scan3A_434 = arith.addi %scan3A_432, %scan3A_433 : i32
      %scan3A_435 = arith.constant 1 : i32
      scf.for %scan3A_545 = %scan3A_432 to %scan3A_434 step %scan3A_435  : i32 {
        %dma_wait3A = arith.constant 0 : i32
        %dma_wait3A_546 = arith.constant 0 : i32
        %dma_wait3A_547 = tpu.memref_slice %arg9[%dma_wait3A, %dma_wait3A_546] : memref<16x2048xf32, #tpu.memory_space<vmem>> -> memref<16x128xf32, #tpu.memory_space<vmem>>
        %dma_wait3A_548 = arith.constant 0 : i32
        %dma_wait3A_549 = arith.constant 0 : i32
        %dma_wait3A_550 = tpu.memref_slice %arg4[%dma_wait3A_548, %dma_wait3A_549] : memref<16x1000000xf32, #tpu.memory_space<hbm>> -> memref<16x128xf32, #tpu.memory_space<hbm>>
        %dma_wait3A_551 = arith.constant 0 : i32
        %dma_wait3A_552 = arith.constant 0 : i32
        %dma_wait3A_553 = tpu.memref_slice %arg9[%dma_wait3A_551, %dma_wait3A_552] : memref<16x2048xf32, #tpu.memory_space<vmem>> -> memref<16x128xf32, #tpu.memory_space<vmem>>
        %dma_wait3A_554 = arith.constant 0 : i32
        %dma_wait3A_555 = arith.constant 0 : i32
        %dma_wait3A_556 = tpu.memref_slice %arg4[%dma_wait3A_554, %dma_wait3A_555] : memref<16x1000000xf32, #tpu.memory_space<hbm>> -> memref<16x128xf32, #tpu.memory_space<hbm>>
        tpu.wait_dma2 semaphore(%arg12 : memref<!tpu.dma_semaphore, #tpu.memory_space<semaphore_mem>>) src(%dma_wait3A_556 : memref<16x128xf32, #tpu.memory_space<hbm>>) dst(%dma_wait3A_553 : memref<16x128xf32, #tpu.memory_space<vmem>>)
        %dma_wait3A_557 = arith.constant 0 : i32
        %dma_wait3A_558 = arith.constant 0 : i32
        %dma_wait3A_559 = tpu.memref_slice %arg10[%dma_wait3A_557, %dma_wait3A_558] : memref<16x2048xf32, #tpu.memory_space<vmem>> -> memref<16x128xf32, #tpu.memory_space<vmem>>
        %dma_wait3A_560 = arith.constant 0 : i32
        %dma_wait3A_561 = arith.constant 0 : i32
        %dma_wait3A_562 = tpu.memref_slice %arg5[%dma_wait3A_560, %dma_wait3A_561] : memref<16x1000000xf32, #tpu.memory_space<hbm>> -> memref<16x128xf32, #tpu.memory_space<hbm>>
        %dma_wait3A_563 = arith.constant 0 : i32
        %dma_wait3A_564 = arith.constant 0 : i32
        %dma_wait3A_565 = tpu.memref_slice %arg10[%dma_wait3A_563, %dma_wait3A_564] : memref<16x2048xf32, #tpu.memory_space<vmem>> -> memref<16x128xf32, #tpu.memory_space<vmem>>
        %dma_wait3A_566 = arith.constant 0 : i32
        %dma_wait3A_567 = arith.constant 0 : i32
        %dma_wait3A_568 = tpu.memref_slice %arg5[%dma_wait3A_566, %dma_wait3A_567] : memref<16x1000000xf32, #tpu.memory_space<hbm>> -> memref<16x128xf32, #tpu.memory_space<hbm>>
        tpu.wait_dma2 semaphore(%arg13 : memref<!tpu.dma_semaphore, #tpu.memory_space<semaphore_mem>>) src(%dma_wait3A_568 : memref<16x128xf32, #tpu.memory_space<hbm>>) dst(%dma_wait3A_565 : memref<16x128xf32, #tpu.memory_space<vmem>>)
      }
      %scan3A_436 = arith.constant 16 : i32
      %and3A_437 = arith.andi %get3A_13, %broadcast_in_dim3A_3 : vector<16xi32>
      %and3A_438 = arith.andi %get3A_15, %broadcast_in_dim3A_3 : vector<16xi32>
      %mul3A_439 = arith.constant 128 : i32
      %mul3A_440 = vector.broadcast %mul3A_439 : i32 to vector<16xi32>
      %mul3A_441 = arith.muli %iota3A, %mul3A_440 : vector<16xi32>
      %add3A_442 = arith.addi %mul3A_441, %and3A_437 : vector<16xi32>
      %mul3A_443 = arith.constant 128 : i32
      %mul3A_444 = vector.broadcast %mul3A_443 : i32 to vector<16xi32>
      %mul3A_445 = arith.muli %iota3A, %mul3A_444 : vector<16xi32>
      %add3A_446 = arith.addi %mul3A_445, %and3A_438 : vector<16xi32>
      %broadcast_in_dim3A_447 = arith.constant 0.000000e+00 : f32
      %broadcast_in_dim3A_448 = vector.broadcast %broadcast_in_dim3A_447 : f32 to vector<16xf32>
      %broadcast_in_dim3A_449 = arith.constant 0 : i32
      %broadcast_in_dim3A_450 = vector.broadcast %broadcast_in_dim3A_449 : i32 to vector<16xi32>
      %gather3A = tpu.vector_load_idx %arg9[%broadcast_in_dim3A_450, %add3A_442] : memref<16x2048xf32, #tpu.memory_space<vmem>>[vector<16xi32>, vector<16xi32>], vector<16xf32>,
      %gather3A_451 = tpu.vector_load_idx %arg10[%broadcast_in_dim3A_450, %add3A_446] : memref<16x2048xf32, #tpu.memory_space<vmem>>[vector<16xi32>, vector<16xi32>], vector<16xf32>,
      %mul3A_452 = arith.mulf %gather3A, %gather3A_451 : vector<16xf32>
      %add3A_453 = arith.addf %broadcast_in_dim3A_448, %mul3A_452 : vector<16xf32>
      %broadcast_in_dim3A_454 = arith.constant 1 : i32
      %broadcast_in_dim3A_455 = vector.broadcast %broadcast_in_dim3A_454 : i32 to vector<16xi32>
      %gather3A_456 = tpu.vector_load_idx %arg9[%broadcast_in_dim3A_455, %add3A_442] : memref<16x2048xf32, #tpu.memory_space<vmem>>[vector<16xi32>, vector<16xi32>], vector<16xf32>,
      %gather3A_457 = tpu.vector_load_idx %arg10[%broadcast_in_dim3A_455, %add3A_446] : memref<16x2048xf32, #tpu.memory_space<vmem>>[vector<16xi32>, vector<16xi32>], vector<16xf32>,
      %mul3A_458 = arith.mulf %gather3A_456, %gather3A_457 : vector<16xf32>
      %add3A_459 = arith.addf %add3A_453, %mul3A_458 : vector<16xf32>
      %broadcast_in_dim3A_460 = arith.constant 2 : i32
      %broadcast_in_dim3A_461 = vector.broadcast %broadcast_in_dim3A_460 : i32 to vector<16xi32>
      %gather3A_462 = tpu.vector_load_idx %arg9[%broadcast_in_dim3A_461, %add3A_442] : memref<16x2048xf32, #tpu.memory_space<vmem>>[vector<16xi32>, vector<16xi32>], vector<16xf32>,
      %gather3A_463 = tpu.vector_load_idx %arg10[%broadcast_in_dim3A_461, %add3A_446] : memref<16x2048xf32, #tpu.memory_space<vmem>>[vector<16xi32>, vector<16xi32>], vector<16xf32>,
      %mul3A_464 = arith.mulf %gather3A_462, %gather3A_463 : vector<16xf32>
      %add3A_465 = arith.addf %add3A_459, %mul3A_464 : vector<16xf32>
      %broadcast_in_dim3A_466 = arith.constant 3 : i32
      %broadcast_in_dim3A_467 = vector.broadcast %broadcast_in_dim3A_466 : i32 to vector<16xi32>
      %gather3A_468 = tpu.vector_load_idx %arg9[%broadcast_in_dim3A_467, %add3A_442] : memref<16x2048xf32, #tpu.memory_space<vmem>>[vector<16xi32>, vector<16xi32>], vector<16xf32>,
      %gather3A_469 = tpu.vector_load_idx %arg10[%broadcast_in_dim3A_467, %add3A_446] : memref<16x2048xf32, #tpu.memory_space<vmem>>[vector<16xi32>, vector<16xi32>], vector<16xf32>,
      %mul3A_470 = arith.mulf %gather3A_468, %gather3A_469 : vector<16xf32>
      %add3A_471 = arith.addf %add3A_465, %mul3A_470 : vector<16xf32>
      %broadcast_in_dim3A_472 = arith.constant 4 : i32
      %broadcast_in_dim3A_473 = vector.broadcast %broadcast_in_dim3A_472 : i32 to vector<16xi32>
      %gather3A_474 = tpu.vector_load_idx %arg9[%broadcast_in_dim3A_473, %add3A_442] : memref<16x2048xf32, #tpu.memory_space<vmem>>[vector<16xi32>, vector<16xi32>], vector<16xf32>,
      %gather3A_475 = tpu.vector_load_idx %arg10[%broadcast_in_dim3A_473, %add3A_446] : memref<16x2048xf32, #tpu.memory_space<vmem>>[vector<16xi32>, vector<16xi32>], vector<16xf32>,
      %mul3A_476 = arith.mulf %gather3A_474, %gather3A_475 : vector<16xf32>
      %add3A_477 = arith.addf %add3A_471, %mul3A_476 : vector<16xf32>
      %broadcast_in_dim3A_478 = arith.constant 5 : i32
      %broadcast_in_dim3A_479 = vector.broadcast %broadcast_in_dim3A_478 : i32 to vector<16xi32>
      %gather3A_480 = tpu.vector_load_idx %arg9[%broadcast_in_dim3A_479, %add3A_442] : memref<16x2048xf32, #tpu.memory_space<vmem>>[vector<16xi32>, vector<16xi32>], vector<16xf32>,
      %gather3A_481 = tpu.vector_load_idx %arg10[%broadcast_in_dim3A_479, %add3A_446] : memref<16x2048xf32, #tpu.memory_space<vmem>>[vector<16xi32>, vector<16xi32>], vector<16xf32>,
      %mul3A_482 = arith.mulf %gather3A_480, %gather3A_481 : vector<16xf32>
      %add3A_483 = arith.addf %add3A_477, %mul3A_482 : vector<16xf32>
      %broadcast_in_dim3A_484 = arith.constant 6 : i32
      %broadcast_in_dim3A_485 = vector.broadcast %broadcast_in_dim3A_484 : i32 to vector<16xi32>
      %gather3A_486 = tpu.vector_load_idx %arg9[%broadcast_in_dim3A_485, %add3A_442] : memref<16x2048xf32, #tpu.memory_space<vmem>>[vector<16xi32>, vector<16xi32>], vector<16xf32>,
      %gather3A_487 = tpu.vector_load_idx %arg10[%broadcast_in_dim3A_485, %add3A_446] : memref<16x2048xf32, #tpu.memory_space<vmem>>[vector<16xi32>, vector<16xi32>], vector<16xf32>,
      %mul3A_488 = arith.mulf %gather3A_486, %gather3A_487 : vector<16xf32>
      %add3A_489 = arith.addf %add3A_483, %mul3A_488 : vector<16xf32>
      %broadcast_in_dim3A_490 = arith.constant 7 : i32
      %broadcast_in_dim3A_491 = vector.broadcast %broadcast_in_dim3A_490 : i32 to vector<16xi32>
      %gather3A_492 = tpu.vector_load_idx %arg9[%broadcast_in_dim3A_491, %add3A_442] : memref<16x2048xf32, #tpu.memory_space<vmem>>[vector<16xi32>, vector<16xi32>], vector<16xf32>,
      %gather3A_493 = tpu.vector_load_idx %arg10[%broadcast_in_dim3A_491, %add3A_446] : memref<16x2048xf32, #tpu.memory_space<vmem>>[vector<16xi32>, vector<16xi32>], vector<16xf32>,
      %mul3A_494 = arith.mulf %gather3A_492, %gather3A_493 : vector<16xf32>
      %add3A_495 = arith.addf %add3A_489, %mul3A_494 : vector<16xf32>
      %broadcast_in_dim3A_496 = arith.constant 8 : i32
      %broadcast_in_dim3A_497 = vector.broadcast %broadcast_in_dim3A_496 : i32 to vector<16xi32>
      %gather3A_498 = tpu.vector_load_idx %arg9[%broadcast_in_dim3A_497, %add3A_442] : memref<16x2048xf32, #tpu.memory_space<vmem>>[vector<16xi32>, vector<16xi32>], vector<16xf32>,
      %gather3A_499 = tpu.vector_load_idx %arg10[%broadcast_in_dim3A_497, %add3A_446] : memref<16x2048xf32, #tpu.memory_space<vmem>>[vector<16xi32>, vector<16xi32>], vector<16xf32>,
      %mul3A_500 = arith.mulf %gather3A_498, %gather3A_499 : vector<16xf32>
      %add3A_501 = arith.addf %add3A_495, %mul3A_500 : vector<16xf32>
      %broadcast_in_dim3A_502 = arith.constant 9 : i32
      %broadcast_in_dim3A_503 = vector.broadcast %broadcast_in_dim3A_502 : i32 to vector<16xi32>
      %gather3A_504 = tpu.vector_load_idx %arg9[%broadcast_in_dim3A_503, %add3A_442] : memref<16x2048xf32, #tpu.memory_space<vmem>>[vector<16xi32>, vector<16xi32>], vector<16xf32>,
      %gather3A_505 = tpu.vector_load_idx %arg10[%broadcast_in_dim3A_503, %add3A_446] : memref<16x2048xf32, #tpu.memory_space<vmem>>[vector<16xi32>, vector<16xi32>], vector<16xf32>,
      %mul3A_506 = arith.mulf %gather3A_504, %gather3A_505 : vector<16xf32>
      %add3A_507 = arith.addf %add3A_501, %mul3A_506 : vector<16xf32>
      %broadcast_in_dim3A_508 = arith.constant 10 : i32
      %broadcast_in_dim3A_509 = vector.broadcast %broadcast_in_dim3A_508 : i32 to vector<16xi32>
      %gather3A_510 = tpu.vector_load_idx %arg9[%broadcast_in_dim3A_509, %add3A_442] : memref<16x2048xf32, #tpu.memory_space<vmem>>[vector<16xi32>, vector<16xi32>], vector<16xf32>,
      %gather3A_511 = tpu.vector_load_idx %arg10[%broadcast_in_dim3A_509, %add3A_446] : memref<16x2048xf32, #tpu.memory_space<vmem>>[vector<16xi32>, vector<16xi32>], vector<16xf32>,
      %mul3A_512 = arith.mulf %gather3A_510, %gather3A_511 : vector<16xf32>
      %add3A_513 = arith.addf %add3A_507, %mul3A_512 : vector<16xf32>
      %broadcast_in_dim3A_514 = arith.constant 11 : i32
      %broadcast_in_dim3A_515 = vector.broadcast %broadcast_in_dim3A_514 : i32 to vector<16xi32>
      %gather3A_516 = tpu.vector_load_idx %arg9[%broadcast_in_dim3A_515, %add3A_442] : memref<16x2048xf32, #tpu.memory_space<vmem>>[vector<16xi32>, vector<16xi32>], vector<16xf32>,
      %gather3A_517 = tpu.vector_load_idx %arg10[%broadcast_in_dim3A_515, %add3A_446] : memref<16x2048xf32, #tpu.memory_space<vmem>>[vector<16xi32>, vector<16xi32>], vector<16xf32>,
      %mul3A_518 = arith.mulf %gather3A_516, %gather3A_517 : vector<16xf32>
      %add3A_519 = arith.addf %add3A_513, %mul3A_518 : vector<16xf32>
      %broadcast_in_dim3A_520 = arith.constant 12 : i32
      %broadcast_in_dim3A_521 = vector.broadcast %broadcast_in_dim3A_520 : i32 to vector<16xi32>
      %gather3A_522 = tpu.vector_load_idx %arg9[%broadcast_in_dim3A_521, %add3A_442] : memref<16x2048xf32, #tpu.memory_space<vmem>>[vector<16xi32>, vector<16xi32>], vector<16xf32>,
      %gather3A_523 = tpu.vector_load_idx %arg10[%broadcast_in_dim3A_521, %add3A_446] : memref<16x2048xf32, #tpu.memory_space<vmem>>[vector<16xi32>, vector<16xi32>], vector<16xf32>,
      %mul3A_524 = arith.mulf %gather3A_522, %gather3A_523 : vector<16xf32>
      %add3A_525 = arith.addf %add3A_519, %mul3A_524 : vector<16xf32>
      %broadcast_in_dim3A_526 = arith.constant 13 : i32
      %broadcast_in_dim3A_527 = vector.broadcast %broadcast_in_dim3A_526 : i32 to vector<16xi32>
      %gather3A_528 = tpu.vector_load_idx %arg9[%broadcast_in_dim3A_527, %add3A_442] : memref<16x2048xf32, #tpu.memory_space<vmem>>[vector<16xi32>, vector<16xi32>], vector<16xf32>,
      %gather3A_529 = tpu.vector_load_idx %arg10[%broadcast_in_dim3A_527, %add3A_446] : memref<16x2048xf32, #tpu.memory_space<vmem>>[vector<16xi32>, vector<16xi32>], vector<16xf32>,
      %mul3A_530 = arith.mulf %gather3A_528, %gather3A_529 : vector<16xf32>
      %add3A_531 = arith.addf %add3A_525, %mul3A_530 : vector<16xf32>
      %broadcast_in_dim3A_532 = arith.constant 14 : i32
      %broadcast_in_dim3A_533 = vector.broadcast %broadcast_in_dim3A_532 : i32 to vector<16xi32>
      %gather3A_534 = tpu.vector_load_idx %arg9[%broadcast_in_dim3A_533, %add3A_442] : memref<16x2048xf32, #tpu.memory_space<vmem>>[vector<16xi32>, vector<16xi32>], vector<16xf32>,
      %gather3A_535 = tpu.vector_load_idx %arg10[%broadcast_in_dim3A_533, %add3A_446] : memref<16x2048xf32, #tpu.memory_space<vmem>>[vector<16xi32>, vector<16xi32>], vector<16xf32>,
      %mul3A_536 = arith.mulf %gather3A_534, %gather3A_535 : vector<16xf32>
      %add3A_537 = arith.addf %add3A_531, %mul3A_536 : vector<16xf32>
      %broadcast_in_dim3A_538 = arith.constant 15 : i32
      %broadcast_in_dim3A_539 = vector.broadcast %broadcast_in_dim3A_538 : i32 to vector<16xi32>
      %gather3A_540 = tpu.vector_load_idx %arg9[%broadcast_in_dim3A_539, %add3A_442] : memref<16x2048xf32, #tpu.memory_space<vmem>>[vector<16xi32>, vector<16xi32>], vector<16xf32>,
      %gather3A_541 = tpu.vector_load_idx %arg10[%broadcast_in_dim3A_539, %add3A_446] : memref<16x2048xf32, #tpu.memory_space<vmem>>[vector<16xi32>, vector<16xi32>], vector<16xf32>,
      %mul3A_542 = arith.mulf %gather3A_540, %gather3A_541 : vector<16xf32>
      %add3A_543 = arith.addf %add3A_537, %mul3A_542 : vector<16xf32>
      %swap3A = arith.index_cast %mul3A_12 : i32 to index
      %swap3A_544 = tpu.vector_load %arg11[%swap3A] {strides = array<i32>} : memref<512xf32, #tpu.memory_space<vmem>>, vector<16xf32>,
      tpu.vector_store %arg11[%swap3A], %add3A_543 {strides = array<i32>} : memref<512xf32, #tpu.memory_space<vmem>>, vector<16xf32>,
    }
    %scan3A_9 = arith.constant 32 : i32
    "tpu.region"() ({
      %run_scoped3A = tpu.sem_alloc : memref<!tpu.dma_semaphore, #tpu.memory_space<semaphore_mem>>
      %dma_start3A = tpu.memref_slice %arg6[%mul3A_2] : memref<16384xf32, #tpu.memory_space<hbm>> -> memref<512xf32, #tpu.memory_space<hbm>>
      %dma_start3A_10 = tpu.memref_slice %arg6[%mul3A_2] : memref<16384xf32, #tpu.memory_space<hbm>> -> memref<512xf32, #tpu.memory_space<hbm>>
      tpu.enqueue_dma source(%arg11 : memref<512xf32, #tpu.memory_space<vmem>>) target(%dma_start3A_10 : memref<512xf32, #tpu.memory_space<hbm>>) target_semaphore(%run_scoped3A : memref<!tpu.dma_semaphore, #tpu.memory_space<semaphore_mem>>)
      %dma_wait3A = tpu.memref_slice %arg6[%mul3A_2] : memref<16384xf32, #tpu.memory_space<hbm>> -> memref<512xf32, #tpu.memory_space<hbm>>
      %dma_wait3A_11 = tpu.memref_slice %arg6[%mul3A_2] : memref<16384xf32, #tpu.memory_space<hbm>> -> memref<512xf32, #tpu.memory_space<hbm>>
      tpu.wait_dma2 semaphore(%run_scoped3A : memref<!tpu.dma_semaphore, #tpu.memory_space<semaphore_mem>>) src(%arg11 : memref<512xf32, #tpu.memory_space<vmem>>) dst(%dma_wait3A_11 : memref<512xf32, #tpu.memory_space<hbm>>)
      tpu.yield
    }) : () -> ()
    return
  }
}

</mosaic_0001>

<sc_bundles>
// kernel: kernel.3.cloned.1.call-start
scs
__scs_entry_jumppad:
0x0: {  	(pc) =	sbr.rel $0x88, $3  }
0x1: {  	(tag) =	ssettag $0x0;
	lr =	simm.s32 $0x1  }
0x2: {  	[smem:$0x3F9D] =	sst lr;
	_ =	strace $0xD0000000  }
0x3: {  	_ = 	snop  }
0x4: {  	_ = 	snop  }
0x5: {  	_ = 	snop  }
0x6: {  	_ = 	snop  }
0x7: {  	_ = 	snop  }
__scs_overlays_trampoline_lowered:
0x8: {  	[smem:$0x3FAC] =	sst s0  }
0x9: {  	[smem:$0x3FAD] =	sst s1  }
0xa: {  	[smem:$0x3FAE] =	sst s2  }
0xb: {  	[smem:$0x3FAF] =	sst s3  }
0xc: {  	[smem:$0x3FB0] =	sst s4  }
0xd: {  	[smem:$0x3FB1] =	sst s5  }
0xe: {  	[smem:$0x3FB2] =	sst s6  }
0xf: {  	[smem:$0x3FB3] =	sst s7  }
0x10: {  	[smem:$0x3FB4] =	sst s8  }
0x11: {  	[smem:$0x3FB5] =	sst s9;
	s0 =	simm.s32 @!p0 $0x0  }
0x12: {  	s1 =	sld [smem:$0x3F9B];
	s0 =	simm.s32 @p0 $0x1  }
0x13: {  	[smem:$0x3FB6] =	sst s0;
	s0 =	simm.s32 @!p1 $0x0  }
0x14: {  	s2 =	sld [smem:$0x3F9A];
	s0 =	simm.s32 @p1 $0x1  }
0x15: {  	[smem:$0x3FB7] =	sst s0;
	s0 =	simm.s32 @!p2 $0x0  }
0x16: {  	s3 =	sld [smem:$0x3FDB];
	s0 =	simm.s32 @p2 $0x1  }
0x17: {  	s4 =	simm.s32 $0x1BF5;
	[smem:$0x3FB9] =	sst s0  }
0x18: {  	s0 =	sld [smem:$0x3F9C];
	_ =	swait.ge [sflag:s4], $0x0  }
0x19: {  	s7 =	sld [smem:$0x3F9D]  }
0x1a: {  	s8 =	sadd.s32 $0xFFFFE003, lr  }
0x1b: {  	s9 =	sadd.s32 $0xFFFFFEF7, lr;
	s5 =	simm.s32 $0xFFFFFFFF;
	p2 =	slt.u32 s8, $0xFFFFF086  }
0x1c: {  	p1 =	slt.u32 s9, $0xF7A;
	s5 =	simm.s32 @!p2 $0x0  }
0x1d: {  	s5 =	simm.s32 @p1 $0x1;
	p0 =	seq.s32 s7, s2  }
0x1e: {  	s7 =	smul.u32 @!p0 $0xF7A, s2;
	p2 =	seq.s32 @!p0 s5, $0x0  }
0x1f: {  	s9 =	smul.u32 $0xF7A, s1;
	s8 =	simm.s32 @!p0 $0x1BF5;
	p2 =	por !p2, p0  }
0x20: {  	[sflag:s8] =	ssyncset.s32 @!p0 $0xFFFFF086;
	s6 =	sadd.s32 @!p0 s3, s7;
	s7 =	simm.s32 @!p0 $0x108  }
0x21: {  	s3 =	sadd.s32 s3, s9;
	s6 =	sadd.s32 @!p0 $0x88, s6;
	s7 =	simm.s32 @p2 $0x1082  }
0x22: {  	[simem:s7], [sflag:s8] =	dma.local @!p0 [hbm:s6], $0xF7A  }
0x23: {  	s9 =	sor.u32 $0xD0000000, s2;
	s6 =	simm.s32 $0x108;
	_ =	swait.ge @!p0 [sflag:s8], $0x0  }
0x24: {  	s3 =	sadd.s32 $0x88, s3;
	s6 =	simm.s32 @!p1 $0x1082;
	[sflag:s4] =	ssyncset.s32 $0xFFFFF086  }
0x25: {  	[simem:s6], [sflag:s4] =	dma.local [hbm:s3], $0xF7A  }
0x26: {  	[smem:$0x3F9D] =	sst s1;
	(tag) =	ssettag s2;
	_ =	strace s9  }
0x27: {  	s1 =	sld [smem:$0x3FAD]  }
0x28: {  	s2 =	sld [smem:$0x3FAE]  }
0x29: {  	s4 =	sld [smem:$0x3FB0]  }
0x2a: {  	p0 =	seq.s32 s5, $0x0;
	s5 =	sld [smem:$0x3FB1]  }
0x2b: {  	s6 =	sld [smem:$0x3FB2]  }
0x2c: {  	s7 =	sld [smem:$0x3FB3]  }
0x2d: {  	s3 =	simm.s32 $0x108;
	s8 =	sld [smem:$0x3FB4]  }
0x2e: {  	s3 =	simm.s32 @!p0 $0x1082;
	s9 =	sld [smem:$0x3FB5]  }
0x2f: {  	lr =	sadd.s32 s0, s3;
	s0 =	sld [smem:$0x3FAC]  }
0x30: {  	s3 =	sld [smem:$0x3FAF]  }
0x31: {  	[smem:$0x3FB8] =	sst s10  }
0x32: {  	s10 =	sld [smem:$0x3FB6];
	_ =	sdelay $0x3  }
0x33: {  	p0 =	seq.s32 s10, $0x1;
	s10 =	sld [smem:$0x3FB8];
	_ =	sdelay $0x3  }
0x34: {  	[smem:$0x3FB8] =	sst s10  }
0x35: {  	s10 =	sld [smem:$0x3FB7];
	_ =	sdelay $0x3  }
0x36: {  	p1 =	seq.s32 s10, $0x1;
	s10 =	sld [smem:$0x3FB8];
	_ =	sdelay $0x3  }
0x37: {  	[smem:$0x3FB8] =	sst s10  }
0x38: {  	s10 =	sld [smem:$0x3FB9]  }
0x39: {  	_ = 	snop;
	(pc) =	sbr.ind lr, $3  }
0x3a: {  	_ = 	snop  }
0x3b: {  	_ = 	snop  }
0x3c: {  	p2 =	seq.s32 s10, $0x1;
	s10 =	sld [smem:$0x3FB8]  }
0x3d: {  	_ =	shalt  }
0x3e: {  	_ =	shalt  }
0x3f: {  	_ =	shalt  }
0x40: {  	_ =	shalt  }
0x41: {  	_ =	shalt  }
0x42: {  	_ =	shalt  }
0x43: {  	_ =	shalt  }
0x44: {  	_ =	shalt  }
0x45: {  	_ =	shalt  }
0x46: {  	_ =	shalt  }
0x47: {  	_ =	shalt  }
0x48: {  	_ =	shalt  }
0x49: {  	_ =	shalt  }
0x4a: {  	_ =	shalt  }
0x4b: {  	_ =	shalt  }
0x4c: {  	_ =	shalt  }
0x4d: {  	_ =	shalt  }
0x4e: {  	_ =	shalt  }
0x4f: {  	_ =	shalt  }
0x50: {  	_ =	shalt  }
0x51: {  	_ =	shalt  }
0x52: {  	_ =	shalt  }
0x53: {  	_ =	shalt  }
0x54: {  	_ =	shalt  }
0x55: {  	_ =	shalt  }
0x56: {  	_ =	shalt  }
0x57: {  	_ =	shalt  }
0x58: {  	_ =	shalt  }
0x59: {  	_ =	shalt  }
0x5a: {  	_ =	shalt  }
0x5b: {  	_ =	shalt  }
0x5c: {  	_ =	shalt  }
0x5d: {  	_ =	shalt  }
0x5e: {  	_ =	shalt  }
0x5f: {  	_ =	shalt  }
0x60: {  	_ =	shalt  }
0x61: {  	_ =	shalt  }
0x62: {  	_ =	shalt  }
0x63: {  	_ =	shalt  }
0x64: {  	_ =	shalt  }
0x65: {  	_ =	shalt  }
0x66: {  	_ =	shalt  }
0x67: {  	_ =	shalt  }
0x68: {  	_ =	shalt  }
0x69: {  	_ =	shalt  }
0x6a: {  	_ =	shalt  }
0x6b: {  	_ =	shalt  }
0x6c: {  	_ =	shalt  }
0x6d: {  	_ =	shalt  }
0x6e: {  	_ =	shalt  }
0x6f: {  	_ =	shalt  }
0x70: {  	_ =	shalt  }
0x71: {  	_ =	shalt  }
0x72: {  	_ =	shalt  }
0x73: {  	_ =	shalt  }
0x74: {  	_ =	shalt  }
0x75: {  	_ =	shalt  }
0x76: {  	_ =	shalt  }
0x77: {  	_ =	shalt  }
0x78: {  	_ =	shalt  }
0x79: {  	_ =	shalt  }
0x7a: {  	_ =	shalt  }
0x7b: {  	_ =	shalt  }
0x7c: {  	_ =	shalt  }
0x7d: {  	_ =	shalt  }
0x7e: {  	_ =	shalt  }
0x7f: {  	_ =	shalt  }
0x80: {  	_ =	shalt  }
0x81: {  	_ =	shalt  }
0x82: {  	_ =	shalt  }
0x83: {  	_ =	shalt  }
0x84: {  	_ =	shalt  }
0x85: {  	_ =	shalt  }
0x86: {  	_ =	shalt  }
0x87: {  	_ =	shalt  }
.Lfunc_end0:
.L_simem_size_0:
called_computation_lowered:
.L_overlay_start_0:
0x88: {  	s2 =	sld [smem:$0x3FD9]  }
0x89: {  	s3 =	sld [smem:$0x3FFE];
	_ =	sdelay $0x1  }
0x8a: {  	s1 =	srdreg.scid  }
0x8b: {  	s0 =	sand.u32 $0x1, s1  }
0x8c: {  	s18 =	sshll.u32 s0, $0xA;
	s2 =	sadd.s32 s3, s2  }
0x8d: {  	s2 =	sadd.s32 s2, s18  }
0x8e: {  	[smem:$0x3FC4] =	sst s2  }
0x8f: {  	_ = 	snop  }
0x90: {  	s2 =	sld [smem:$0x3FC9]  }
0x91: {  	s19 =	sld [smem:$0x3FC8]  }
0x92: {  	s4 =	sld [smem:$0x3FC7]  }
0x93: {  	s5 =	sld [smem:$0x3FC6]  }
0x94: {  	s6 =	sld [smem:$0x3FD0];
	(tm) =	ssettm $0x1  }
0x95: {  	s7 =	sld [smem:$0x3FFB];
	_ =	sdelay $0x3  }
0x96: {  	_ =	strace s7  }
0x97: {  	s7 =	sld [smem:$0x3FFC];
	_ =	sdelay $0x3  }
0x98: {  	_ =	strace s7  }
0x99: {  	s7 =	sld [smem:$0x3FFD];
	_ =	sdelay $0x3  }
0x9a: {  	_ =	strace s7  }
0x9b: {  	_ =	strace $0x8FFFFFFF  }
0x9c: {  	s20 =	sld [smem:$0x3FDB];
	_ =	sdelay $0x1  }
0x9d: {  	s8 =	simm.s32 $_scs_section_size  }
0x9e: {  	s9 =	simm.s32 $_size__tile_overlayer_lowered;
	s10 =	simm.s32 $_tile_overlayer_lowered  }
0x9f: {  	s23 =	simm.s32 $0x1BFF;
	s22 =	sshll.u32 s10, $0x1;
	s7 =	sadd.s32 s8, s20  }
0xa0: {  	s11 =	simm.s32 $0x0;
	s21 =	sshll.u32 s9, $0x1;
	s9 =	sadd.s32 s22, s7  }
0xa1: {  	[timem:s11], [sflag:s23] =	dma.local [hbm:s9], s21  }
0xa2: {  	_ =	swait.ge [sflag:s23], s21  }
0xa3: {  	s8 =	ssub.s32 $0x0, s21;
	[sflag:s23] =	ssyncset.done $0x0  }
0xa4: {  	[sflag:s23] =	ssyncadd.s32 s8;
	_ =	sdelay $0x1  }
0xa5: {  	s24 =	simm.s32 $0x1B8B  }
0xa6: {  	_ =	swait.ge [sflag:s24], $0x1  }
0xa7: {  	[sflag:s24] =	ssyncset.done $0x0  }
0xa8: {  	s25 =	simm.s32 $0x1B8E;
	[sflag:s24] =	ssyncadd.s32 $0xFFFFFFFF  }
0xa9: {  	s26 =	simm.s32 $execute0_lowered;
	[smem:$0x3FD2] =	sst s25  }
0xaa: {  	s8 =	sshll.u32 s26, $0x1;
	_ =	strace $0x80000046;
	[dreg:$0x1] =	wrdreg $0xFFFFFFFF  }
0xab: {  	s28 =	simm.s32 $_size_execute0_lowered;
	s7 =	sadd.s32 s7, s8;
	[dreg:$0x0] =	wrdreg $0x0  }
0xac: {  	s8 =	sshll.u32 s28, $0x1;
	[dreg:$0x2] =	wrdreg s7  }
0xad: {  	[dreg:$0x3] =	wrdreg s8  }
0xae: {  	[dreg:$0x4] =	wrdreg $0xC0  }
0xaf: {  	_ =	task [dreg:s11], $0x5FFFF  }
0xb0: {  	[dreg:$0x1] =	wrdreg $0xFFFFFFFF  }
0xb1: {  	[dreg:$0x0] =	wrdreg $0x60  }
0xb2: {  	[dreg:$0x2] =	wrdreg s2  }
0xb3: {  	[dreg:$0x3] =	wrdreg s19  }
0xb4: {  	[dreg:$0x4] =	wrdreg s4  }
0xb5: {  	[dreg:$0x5] =	wrdreg s5  }
0xb6: {  	[dreg:$0x6] =	wrdreg s6  }
0xb7: {  	[dreg:$0x7] =	wrdreg $0x9  }
0xb8: {  	_ =	task.clear_ibuf [dreg:s11], $0x8FFFF;
	_ =	strace $0x90000046  }
0xb9: {  	s29 =	simm.s32 $0x9;
	_ =	strace $0x80000048  }
0xba: {  	_ =	swait.ge [sflag:s29], $0x1  }
0xbb: {  	[sflag:s29] =	ssyncadd.s32 $0xFFFFFFFF  }
0xbc: {  	_ =	strace $0x90000048  }
0xbd: {  	_ =	sfence  }
0xbe: {  	s30 =	sld [smem:$0x0];
	_ =	sdelay $0x2  }
0xbf: {  	s31 =	sshll.u32 s1, $0xD;
	s1 =	sshrl.u32 s1, $0x2  }
0xc0: {  	s3 =	sand.u32 $0x4000, s31;
	s1 =	sadd.s32 s1, s30  }
0xc1: {  	s0 =	sor.u32 s3, s0;
	s1 =	sshll.u32 s1, $0x11  }
0xc2: {  	s0 =	sor.u32 s1, s0  }
0xc3: {  	s0 =	sadd.s32 $0x8F2B, s0  }
0xc4: {  	[sflag:s0] =	ssyncadd.remote.s32 $0x1  }
0xc5: {  	_ =	sfence.sel $0xFFFF  }
0xc6: {  	[dreg:$0x0] =	wrdreg $0xFFFFFFFF;
	(pc) =	sbr.abs _section_cstart, $3  }
0xc7: {  	[dreg:$0x1] =	wrdreg $0xFFFFFFFF  }
0xc8: {  	_ =	task.clear_ibuf [dreg:s11], $0x2FFFF;
	_ =	strace $0x9FFFFFFF  }
0xc9: {  	(tm) =	ssettm $0x7FFFFFFF  }
tec
execute0_lowered:
.L_overlay_start_1:
0x0: {  	(tag) =	ssettag $0x1  }
0x1: {  	s3 =	rddreg [dreg:$0x0]  }
0x2: {  	s4 =	rddreg [dreg:$0x1]  }
0x3: {  	s0 =	rddreg [dreg:$0x2]  }
0x4: {  	s21 =	rddreg [dreg:$0x3]  }
0x5: {  	s5 =	rddreg [dreg:$0x4]  }
0x6: {  	[dreg:$0x6] =	wrdreg s0  }
0x7: {  	[dreg:$0x7] =	wrdreg s21  }
0x8: {  	s1 =	simm.s32 $0x0;
	s0 =	rddreg [dreg:$0x5]  }
0x9: {  	s2 =	simm.s32 $0x4400;
	[smem:$0x7FF] =	sst s1  }
0xa: {  	s22 =	simm.s32 $0xC400;
	_ =	strace $0x80000047;
	[dreg:$0x8] =	wrdreg s2  }
0xb: {  	s23 =	simm.s32 $0x800;
	[dreg:$0x9] =	wrdreg s22  }
0xc: {  	s24 =	simm.s32 $0x4800;
	[dreg:$0xa] =	wrdreg s23  }
0xd: {  	s25 =	simm.s32 $0x8800;
	[dreg:$0xb] =	wrdreg s24  }
0xe: {  	s26 =	simm.s32 $0xC800;
	[dreg:$0xc] =	wrdreg s25  }
0xf: {  	s28 =	simm.s32 $0xC00;
	[dreg:$0xd] =	wrdreg s26  }
0x10: {  	s29 =	simm.s32 $0x4C00;
	[dreg:$0xe] =	wrdreg s28  }
0x11: {  	s30 =	simm.s32 $0x8C00;
	[dreg:$0xf] =	wrdreg s29  }
0x12: {  	s31 =	simm.s32 $0xCC00;
	[dreg:$0x10] =	wrdreg s30  }
0x13: {  	s6 =	simm.s32 $0x1000;
	[dreg:$0x11] =	wrdreg s31  }
0x14: {  	s7 =	simm.s32 $0x5000;
	[dreg:$0x12] =	wrdreg s6  }
0x15: {  	s8 =	simm.s32 $0x9000;
	[dreg:$0x13] =	wrdreg s7  }
0x16: {  	s9 =	simm.s32 $0xD000;
	[dreg:$0x14] =	wrdreg s8  }
0x17: {  	s10 =	simm.s32 $0x1400;
	[dreg:$0x15] =	wrdreg s9  }
0x18: {  	s11 =	simm.s32 $0x5400;
	[dreg:$0x16] =	wrdreg s10  }
0x19: {  	s12 =	simm.s32 $0x9400;
	[dreg:$0x17] =	wrdreg s11  }
0x1a: {  	s13 =	simm.s32 $0xD400;
	[dreg:$0x18] =	wrdreg s12  }
0x1b: {  	s14 =	simm.s32 $0x1800;
	[dreg:$0x19] =	wrdreg s13  }
0x1c: {  	s15 =	simm.s32 $0x5800;
	[dreg:$0x1a] =	wrdreg s14  }
0x1d: {  	s16 =	simm.s32 $0x9800;
	[dreg:$0x1b] =	wrdreg s15  }
0x1e: {  	s17 =	simm.s32 $0xD800;
	[dreg:$0x1c] =	wrdreg s16  }
0x1f: {  	s18 =	simm.s32 $0x1C00;
	[dreg:$0x1d] =	wrdreg s17  }
0x20: {  	s19 =	simm.s32 $0x5C00;
	[dreg:$0x1e] =	wrdreg s18  }
0x21: {  	s20 =	simm.s32 $0x9C00;
	[dreg:$0x1f] =	wrdreg s19  }
0x22: {  	s21 =	simm.s32 $0xDC00;
	[smem:$0x7D8] =	sst s20  }
0x23: {  	[smem:$0x7D9] =	sst s21;
	s22 =	simm.s32 $0x2000  }
0x24: {  	s23 =	simm.s32 $0x6000;
	[smem:$0x7DA] =	sst s22  }
0x25: {  	s24 =	simm.s32 $0xA000;
	[smem:$0x7DB] =	sst s23  }
0x26: {  	s25 =	simm.s32 $0xE000;
	[smem:$0x7DC] =	sst s24  }
0x27: {  	s26 =	simm.s32 $0x2400;
	[smem:$0x7DD] =	sst s25  }
0x28: {  	s28 =	simm.s32 $0x6400;
	[smem:$0x7DE] =	sst s26  }
0x29: {  	s29 =	simm.s32 $0xA400;
	[smem:$0x7DF] =	sst s28  }
0x2a: {  	s30 =	simm.s32 $0xE400;
	[smem:$0x7E0] =	sst s29  }
0x2b: {  	s31 =	simm.s32 $0x2800;
	[smem:$0x7E1] =	sst s30  }
0x2c: {  	s6 =	simm.s32 $0x6800;
	[smem:$0x7E2] =	sst s31  }
0x2d: {  	s7 =	simm.s32 $0xA800;
	[smem:$0x7E3] =	sst s6  }
0x2e: {  	s8 =	simm.s32 $0xE800;
	[smem:$0x7E4] =	sst s7  }
0x2f: {  	s9 =	simm.s32 $0x2C00;
	[smem:$0x7E5] =	sst s8  }
0x30: {  	s10 =	simm.s32 $0x6C00;
	[smem:$0x7E6] =	sst s9  }
0x31: {  	s11 =	simm.s32 $0xAC00;
	[smem:$0x7E7] =	sst s10  }
0x32: {  	s12 =	simm.s32 $0xEC00;
	[smem:$0x7E8] =	sst s11  }
0x33: {  	s13 =	simm.s32 $0x3000;
	[smem:$0x7E9] =	sst s12  }
0x34: {  	s14 =	simm.s32 $0x7000;
	[smem:$0x7EA] =	sst s13  }
0x35: {  	s15 =	simm.s32 $0xB000;
	[smem:$0x7EB] =	sst s14  }
0x36: {  	s16 =	simm.s32 $0xF000;
	[smem:$0x7EC] =	sst s15  }
0x37: {  	s17 =	simm.s32 $0x7400;
	[smem:$0x7ED] =	sst s16  }
0x38: {  	s18 =	simm.s32 $0xB400;
	[smem:$0x7EF] =	sst s17  }
0x39: {  	s19 =	simm.s32 $0xF400;
	[smem:$0x7F0] =	sst s18  }
0x3a: {  	s20 =	simm.s32 $0x3800;
	[smem:$0x7F1] =	sst s19  }
0x3b: {  	s21 =	simm.s32 $0x7800;
	[smem:$0x7F2] =	sst s20  }
0x3c: {  	s7 =	simm.s32 $0x3400;
	[smem:$0x7F3] =	sst s21  }
0x3d: {  	s2 =	stileid.u32;
	s23 =	simm.s32 $0xB800;
	[smem:$0x7EE] =	sst s7  }
0x3e: {  	s6 =	srdreg.scid;
	s24 =	simm.s32 $0xF800;
	[smem:$0x7F4] =	sst s23  }
0x3f: {  	s22 =	sshll.u32 s2, $0x7;
	s25 =	simm.s32 $0x3C00;
	[smem:$0x7F5] =	sst s24  }
0x40: {  	s26 =	simm.s32 $0x7C00;
	s28 =	simm.s32 $0xBC00;
	[smem:$0x7F6] =	sst s25  }
0x41: {  	s29 =	simm.s32 $0xFC00;
	s30 =	simm.s32 $0x4000;
	[smem:$0x7F7] =	sst s26  }
0x42: {  	s31 =	simm.s32 $0x8000;
	s10 =	simm.s32 $0xC000;
	[smem:$0x7F8] =	sst s28  }
0x43: {  	v0 =	vlaneseq.u32;
	s11 =	simm.s32 $0x10000;
	s12 =	simm.s32 $0x2;
	[smem:$0x7F9] =	sst s29  }
0x44: {  	v0 =	vmul.u32 $0x400, v0;
	s13 =	simm.s32 $0x10400;
	s14 =	simm.s32 $0x0;
	[smem:$0x7FA] =	sst s30  }
0x45: {  	s6 =	sand.u32 $0x1, s6;
	s7 =	simm.s32 $0x3;
	[smem:$0x7FB] =	sst s31  }
0x46: {  	v1 =	vor.u32 $0x80, v0;
	v2 =	vor.u32 $0x100, v0;
	v3 =	vor.u32 $0x180, v0;
	[smem:$0x7FC] =	sst s10;
	s10 =	simm.s32 $0x8400;
	s8 =	ssub.s32 $0x2, s6  }
0x47: {  	v4 =	vor.u32 $0x200, v0;
	v5 =	vor.u32 $0x280, v0;
	v6 =	vor.u32 $0x300, v0;
	[smem:$0x7FD] =	sst s11;
	s6 =	sshll.u32 s6, $0x6;
	s9 =	sshrl.u32 s8, $0x1  }
0x48: {  	v7 =	vor.u32 $0x380, v0;
	v8 =	vor.u32 $0x4000, v0;
	v9 =	vor.u32 $0x4080, v0;
	s11 =	simm.s32 $0x1;
	s6 =	sor.u32 s6, s22;
	s8 =	ssub.s32 s8, s9  }
0x49: {  	v10 =	vor.u32 $0x4100, v0;
	v11 =	vor.u32 $0x4180, v0;
	v12 =	vor.u32 $0x4200, v0;
	s3 =	sadd.s32 s3, s6;
	s4 =	sadd.s32 s4, s6;
	s5 =	sadd.s32 s5, s6  }
0x4a: {  	v13 =	vor.u32 $0x4280, v0;
	v14 =	vor.u32 $0x4300, v0;
	v15 =	vor.u32 $0x4380, v0;
	s9 =	simm.s32 $0x400;
	s6 =	smax.u32 s8, $0x1;
	s8 =	simm.s32 $0x200  }
.LBB2_1:
0x4b: {  	[tilespmem:s1], [sflag:$0x3] =	stream.linear.gather [hbm4b:s3+s1], $0x200, $0x38;
	[tilespmem:$0x10600] =	vst v63  }
0x4c: {  	_ =	swait.ge [sflag:s7], $0x200  }
0x4d: {  	[sflag:s7] =	ssyncset.done $0x0  }
0x4e: {  	[sflag:s7] =	ssyncadd.s32 $0xFFFFFE00  }
0x4f: {  	[tilespmem:s8], [sflag:$0x3] =	stream.linear.gather [hbm4b:s4+s1], $0x200, $0x38;
	[tilespmem:$0x10600] =	vst v63  }
0x50: {  	_ =	swait.ge [sflag:s7], $0x200  }
0x51: {  	[sflag:s7] =	ssyncset.done $0x0  }
0x52: {  	s15 =	simm.s32 $0x0;
	[sflag:s7] =	ssyncadd.s32 $0xFFFFFE00  }
0x53: {  	v17 =	vld [tilespmem:s15+$0x0];
	_ =	sdelay $0x3  }
0x54: {  	v16 =	vld [tilespmem:s15+$0x200]  }
0x55: {  	s16 =	rddreg [dreg:$0x6];
	v18 =	vand.u32 $0xFFFFFF80, v17  }
0x56: {  	v19 =	vadd.s32 s16, v18  }
0x57: {  	(v2sf) =	vpush v19, $0x0;
	_ =	sdelay $0x1  }
0x58: {  	s20 =	rddreg [dreg:$0x7];
	v18 =	vand.u32 $0xFFFFFF80, v16;
	(v2sf) =	vpush v19, $0x1  }
0x59: {  	v18 =	vadd.s32 s20, v18  }
0x5a: {  	(v2sf) =	vpush v18, $0x0;
	_ =	sdelay $0x7  }
0x5b: {  	(v2sf) =	vpush v18, $0x1;
	_ =	sdelay $0x2  }
0x5c: {  	s21 =	spop (v2sf)  }
0x5d: {  	(v2sf) =	vpush v19, $0x2;
	[tilespmem:s9], [sflag:$0x1] =	stream.linear.gather [hbm4b:s21+s1], $0x400, $0x38;
	[tilespmem:$0x10600] =	vst v63  }
0x5e: {  	s17 =	rddreg [dreg:$0x8];
	s18 =	spop (v2sf);
	s16 =	sadd.s32 $0xF4280, s21  }
0x5f: {  	[tilespmem:s17], [sflag:$0x1] =	stream.linear.gather [hbm4b:s16+s1], $0x400, $0x38;
	[tilespmem:$0x10600] =	vst v63  }
0x60: {  	s23 =	rddreg [dreg:$0x9];
	s22 =	spop (v2sf)  }
0x61: {  	(v2sf) =	vpush v18, $0x2;
	[tilespmem:s10], [sflag:$0x2] =	stream.linear.gather [hbm4b:s22+s1], $0x400, $0x38;
	[tilespmem:$0x10600] =	vst v63  }
0x62: {  	s19 =	rddreg [dreg:$0xa];
	s16 =	sadd.s32 $0xF4280, s22  }
0x63: {  	[tilespmem:s23], [sflag:$0x2] =	stream.linear.gather [hbm4b:s16+s1], $0x400, $0x38;
	[tilespmem:$0x10600] =	vst v63  }
0x64: {  	s24 =	rddreg [dreg:$0xb]  }
0x65: {  	(v2sf) =	vpush v19, $0x3;
	[tilespmem:s19], [sflag:$0x1] =	stream.linear.gather [hbm4b:s18+s1], $0x400, $0x38;
	[tilespmem:$0x10600] =	vst v63  }
0x66: {  	s26 =	rddreg [dreg:$0xc];
	s25 =	sadd.s32 $0xF4280, s18  }
0x67: {  	[tilespmem:s24], [sflag:$0x1] =	stream.linear.gather [hbm4b:s25+s1], $0x400, $0x38;
	[tilespmem:$0x10600] =	vst v63  }
0x68: {  	s28 =	rddreg [dreg:$0xd];
	s29 =	spop (v2sf)  }
0x69: {  	(v2sf) =	vpush v18, $0x3;
	[tilespmem:s26], [sflag:$0x2] =	stream.linear.gather [hbm4b:s29+s1], $0x400, $0x38;
	[tilespmem:$0x10600] =	vst v63  }
0x6a: {  	s30 =	rddreg [dreg:$0xe];
	s17 =	sadd.s32 $0xF4280, s29  }
0x6b: {  	[tilespmem:s28], [sflag:$0x2] =	stream.linear.gather [hbm4b:s17+s1], $0x400, $0x38;
	[tilespmem:$0x10600] =	vst v63  }
0x6c: {  	s31 =	rddreg [dreg:$0xf];
	s19 =	spop (v2sf)  }
0x6d: {  	(v2sf) =	vpush v19, $0x4;
	[tilespmem:s30], [sflag:$0x1] =	stream.linear.gather [hbm4b:s19+s1], $0x400, $0x38;
	[tilespmem:$0x10600] =	vst v63  }
0x6e: {  	s20 =	rddreg [dreg:$0x10];
	s17 =	sadd.s32 $0xF4280, s19  }
0x6f: {  	[tilespmem:s31], [sflag:$0x1] =	stream.linear.gather [hbm4b:s17+s1], $0x400, $0x38;
	[tilespmem:$0x10600] =	vst v63  }
0x70: {  	s21 =	rddreg [dreg:$0x11];
	s22 =	spop (v2sf)  }
0x71: {  	(v2sf) =	vpush v18, $0x4;
	[tilespmem:s20], [sflag:$0x2] =	stream.linear.gather [hbm4b:s22+s1], $0x400, $0x38;
	[tilespmem:$0x10600] =	vst v63  }
0x72: {  	s23 =	rddreg [dreg:$0x12];
	s17 =	sadd.s32 $0xF4280, s22  }
0x73: {  	[tilespmem:s21], [sflag:$0x2] =	stream.linear.gather [hbm4b:s17+s1], $0x400, $0x38;
	[tilespmem:$0x10600] =	vst v63  }
0x74: {  	s24 =	rddreg [dreg:$0x13];
	s25 =	spop (v2sf)  }
0x75: {  	(v2sf) =	vpush v19, $0x5;
	[tilespmem:s23], [sflag:$0x1] =	stream.linear.gather [hbm4b:s25+s1], $0x400, $0x38;
	[tilespmem:$0x10600] =	vst v63  }
0x76: {  	s26 =	rddreg [dreg:$0x14];
	s17 =	sadd.s32 $0xF4280, s25  }
0x77: {  	[tilespmem:s24], [sflag:$0x1] =	stream.linear.gather [hbm4b:s17+s1], $0x400, $0x38;
	[tilespmem:$0x10600] =	vst v63  }
0x78: {  	s28 =	rddreg [dreg:$0x15];
	s29 =	spop (v2sf)  }
0x79: {  	(v2sf) =	vpush v18, $0x5;
	[tilespmem:s26], [sflag:$0x2] =	stream.linear.gather [hbm4b:s29+s1], $0x400, $0x38;
	[tilespmem:$0x10600] =	vst v63  }
0x7a: {  	s30 =	rddreg [dreg:$0x16];
	s17 =	sadd.s32 $0xF4280, s29  }
0x7b: {  	[tilespmem:s28], [sflag:$0x2] =	stream.linear.gather [hbm4b:s17+s1], $0x400, $0x38;
	[tilespmem:$0x10600] =	vst v63  }
0x7c: {  	s31 =	rddreg [dreg:$0x17];
	s19 =	spop (v2sf)  }
0x7d: {  	(v2sf) =	vpush v19, $0x6;
	[tilespmem:s30], [sflag:$0x1] =	stream.linear.gather [hbm4b:s19+s1], $0x400, $0x38;
	[tilespmem:$0x10600] =	vst v63  }
0x7e: {  	s20 =	rddreg [dreg:$0x18];
	s17 =	sadd.s32 $0xF4280, s19  }
0x7f: {  	[tilespmem:s31], [sflag:$0x1] =	stream.linear.gather [hbm4b:s17+s1], $0x400, $0x38;
	[tilespmem:$0x10600] =	vst v63  }
0x80: {  	s21 =	rddreg [dreg:$0x19];
	s22 =	spop (v2sf)  }
0x81: {  	(v2sf) =	vpush v18, $0x6;
	[tilespmem:s20], [sflag:$0x2] =	stream.linear.gather [hbm4b:s22+s1], $0x400, $0x38;
	[tilespmem:$0x10600] =	vst v63  }
0x82: {  	s23 =	rddreg [dreg:$0x1a];
	s17 =	sadd.s32 $0xF4280, s22  }
0x83: {  	[tilespmem:s21], [sflag:$0x2] =	stream.linear.gather [hbm4b:s17+s1], $0x400, $0x38;
	[tilespmem:$0x10600] =	vst v63  }
0x84: {  	s24 =	rddreg [dreg:$0x1b];
	s25 =	spop (v2sf)  }
0x85: {  	(v2sf) =	vpush v19, $0x7;
	[tilespmem:s23], [sflag:$0x1] =	stream.linear.gather [hbm4b:s25+s1], $0x400, $0x38;
	[tilespmem:$0x10600] =	vst v63  }
0x86: {  	s26 =	rddreg [dreg:$0x1c];
	s17 =	sadd.s32 $0xF4280, s25  }
0x87: {  	[tilespmem:s24], [sflag:$0x1] =	stream.linear.gather [hbm4b:s17+s1], $0x400, $0x38;
	[tilespmem:$0x10600] =	vst v63  }
0x88: {  	s28 =	rddreg [dreg:$0x1d];
	s29 =	spop (v2sf)  }
0x89: {  	(v2sf) =	vpush v18, $0x7;
	[tilespmem:s26], [sflag:$0x2] =	stream.linear.gather [hbm4b:s29+s1], $0x400, $0x38;
	[tilespmem:$0x10600] =	vst v63  }
0x8a: {  	s30 =	rddreg [dreg:$0x1e];
	s17 =	sadd.s32 $0xF4280, s29  }
0x8b: {  	[tilespmem:s28], [sflag:$0x2] =	stream.linear.gather [hbm4b:s17+s1], $0x400, $0x38;
	[tilespmem:$0x10600] =	vst v63  }
0x8c: {  	s31 =	rddreg [dreg:$0x1f];
	s19 =	spop (v2sf)  }
0x8d: {  	(v2sf) =	vpush v19, $0x8;
	[tilespmem:s30], [sflag:$0x1] =	stream.linear.gather [hbm4b:s19+s1], $0x400, $0x38;
	[tilespmem:$0x10600] =	vst v63  }
0x8e: {  	s20 =	sld [smem:$0x7D8];
	s17 =	sadd.s32 $0xF4280, s19  }
0x8f: {  	[tilespmem:s31], [sflag:$0x1] =	stream.linear.gather [hbm4b:s17+s1], $0x400, $0x38;
	[tilespmem:$0x10600] =	vst v63  }
0x90: {  	s21 =	sld [smem:$0x7D9];
	s22 =	spop (v2sf)  }
0x91: {  	(v2sf) =	vpush v18, $0x8;
	[tilespmem:s20], [sflag:$0x2] =	stream.linear.gather [hbm4b:s22+s1], $0x400, $0x38;
	[tilespmem:$0x10600] =	vst v63  }
0x92: {  	s23 =	sld [smem:$0x7DA];
	s17 =	sadd.s32 $0xF4280, s22  }
0x93: {  	[tilespmem:s21], [sflag:$0x2] =	stream.linear.gather [hbm4b:s17+s1], $0x400, $0x38;
	[tilespmem:$0x10600] =	vst v63  }
0x94: {  	s24 =	sld [smem:$0x7DB];
	s25 =	spop (v2sf)  }
0x95: {  	(v2sf) =	vpush v19, $0x9;
	[tilespmem:s23], [sflag:$0x1] =	stream.linear.gather [hbm4b:s25+s1], $0x400, $0x38;
	[tilespmem:$0x10600] =	vst v63  }
0x96: {  	s26 =	sld [smem:$0x7DC];
	s17 =	sadd.s32 $0xF4280, s25  }
0x97: {  	[tilespmem:s24], [sflag:$0x1] =	stream.linear.gather [hbm4b:s17+s1], $0x400, $0x38;
	[tilespmem:$0x10600] =	vst v63  }
0x98: {  	s28 =	sld [smem:$0x7DD];
	s29 =	spop (v2sf)  }
0x99: {  	(v2sf) =	vpush v18, $0x9;
	[tilespmem:s26], [sflag:$0x2] =	stream.linear.gather [hbm4b:s29+s1], $0x400, $0x38;
	[tilespmem:$0x10600] =	vst v63  }
0x9a: {  	s30 =	sld [smem:$0x7DE];
	s17 =	sadd.s32 $0xF4280, s29  }
0x9b: {  	[tilespmem:s28], [sflag:$0x2] =	stream.linear.gather [hbm4b:s17+s1], $0x400, $0x38;
	[tilespmem:$0x10600] =	vst v63  }
0x9c: {  	s31 =	sld [smem:$0x7DF];
	s19 =	spop (v2sf)  }
0x9d: {  	(v2sf) =	vpush v19, $0xA;
	[tilespmem:s30], [sflag:$0x1] =	stream.linear.gather [hbm4b:s19+s1], $0x400, $0x38;
	[tilespmem:$0x10600] =	vst v63  }
0x9e: {  	s20 =	sld [smem:$0x7E0];
	s17 =	sadd.s32 $0xF4280, s19  }
0x9f: {  	[tilespmem:s31], [sflag:$0x1] =	stream.linear.gather [hbm4b:s17+s1], $0x400, $0x38;
	[tilespmem:$0x10600] =	vst v63  }
0xa0: {  	s21 =	sld [smem:$0x7E1];
	s22 =	spop (v2sf)  }
0xa1: {  	(v2sf) =	vpush v18, $0xA;
	[tilespmem:s20], [sflag:$0x2] =	stream.linear.gather [hbm4b:s22+s1], $0x400, $0x38;
	[tilespmem:$0x10600] =	vst v63  }
0xa2: {  	s23 =	sld [smem:$0x7E2];
	s17 =	sadd.s32 $0xF4280, s22  }
0xa3: {  	[tilespmem:s21], [sflag:$0x2] =	stream.linear.gather [hbm4b:s17+s1], $0x400, $0x38;
	[tilespmem:$0x10600] =	vst v63  }
0xa4: {  	s24 =	sld [smem:$0x7E3];
	s25 =	spop (v2sf)  }
0xa5: {  	(v2sf) =	vpush v19, $0xB;
	[tilespmem:s23], [sflag:$0x1] =	stream.linear.gather [hbm4b:s25+s1], $0x400, $0x38;
	[tilespmem:$0x10600] =	vst v63  }
0xa6: {  	s26 =	sld [smem:$0x7E4];
	s17 =	sadd.s32 $0xF4280, s25  }
0xa7: {  	[tilespmem:s24], [sflag:$0x1] =	stream.linear.gather [hbm4b:s17+s1], $0x400, $0x38;
	[tilespmem:$0x10600] =	vst v63  }
0xa8: {  	s28 =	sld [smem:$0x7E5];
	s29 =	spop (v2sf)  }
0xa9: {  	(v2sf) =	vpush v18, $0xB;
	[tilespmem:s26], [sflag:$0x2] =	stream.linear.gather [hbm4b:s29+s1], $0x400, $0x38;
	[tilespmem:$0x10600] =	vst v63  }
0xaa: {  	s30 =	sld [smem:$0x7E6];
	s17 =	sadd.s32 $0xF4280, s29  }
0xab: {  	[tilespmem:s28], [sflag:$0x2] =	stream.linear.gather [hbm4b:s17+s1], $0x400, $0x38;
	[tilespmem:$0x10600] =	vst v63  }
0xac: {  	s31 =	sld [smem:$0x7E7];
	s19 =	spop (v2sf)  }
0xad: {  	(v2sf) =	vpush v19, $0xC;
	[tilespmem:s30], [sflag:$0x1] =	stream.linear.gather [hbm4b:s19+s1], $0x400, $0x38;
	[tilespmem:$0x10600] =	vst v63  }
0xae: {  	s20 =	sld [smem:$0x7E8];
	s17 =	sadd.s32 $0xF4280, s19  }
0xaf: {  	[tilespmem:s31], [sflag:$0x1] =	stream.linear.gather [hbm4b:s17+s1], $0x400, $0x38;
	[tilespmem:$0x10600] =	vst v63  }
0xb0: {  	s21 =	sld [smem:$0x7E9];
	s22 =	spop (v2sf)  }
0xb1: {  	(v2sf) =	vpush v18, $0xC;
	[tilespmem:s20], [sflag:$0x2] =	stream.linear.gather [hbm4b:s22+s1], $0x400, $0x38;
	[tilespmem:$0x10600] =	vst v63  }
0xb2: {  	s23 =	sld [smem:$0x7EA];
	s17 =	sadd.s32 $0xF4280, s22  }
0xb3: {  	[tilespmem:s21], [sflag:$0x2] =	stream.linear.gather [hbm4b:s17+s1], $0x400, $0x38;
	[tilespmem:$0x10600] =	vst v63  }
0xb4: {  	s24 =	sld [smem:$0x7EB];
	s25 =	spop (v2sf)  }
0xb5: {  	(v2sf) =	vpush v19, $0xD;
	[tilespmem:s23], [sflag:$0x1] =	stream.linear.gather [hbm4b:s25+s1], $0x400, $0x38;
	[tilespmem:$0x10600] =	vst v63  }
0xb6: {  	s26 =	sld [smem:$0x7EC];
	s17 =	sadd.s32 $0xF4280, s25  }
0xb7: {  	[tilespmem:s24], [sflag:$0x1] =	stream.linear.gather [hbm4b:s17+s1], $0x400, $0x38;
	[tilespmem:$0x10600] =	vst v63  }
0xb8: {  	s29 =	spop (v2sf);
	s28 =	sld [smem:$0x7ED]  }
0xb9: {  	(v2sf) =	vpush v18, $0xD;
	[tilespmem:s26], [sflag:$0x2] =	stream.linear.gather [hbm4b:s29+s1], $0x400, $0x38;
	[tilespmem:$0x10600] =	vst v63  }
0xba: {  	s30 =	sld [smem:$0x7EE];
	s17 =	sadd.s32 $0xF4280, s29  }
0xbb: {  	[tilespmem:s28], [sflag:$0x2] =	stream.linear.gather [hbm4b:s17+s1], $0x400, $0x38;
	[tilespmem:$0x10600] =	vst v63  }
0xbc: {  	s31 =	sld [smem:$0x7EF];
	s19 =	spop (v2sf)  }
0xbd: {  	(v2sf) =	vpush v19, $0xE;
	[tilespmem:s30], [sflag:$0x1] =	stream.linear.gather [hbm4b:s19+s1], $0x400, $0x38;
	[tilespmem:$0x10600] =	vst v63  }
0xbe: {  	s20 =	sld [smem:$0x7F0];
	s17 =	sadd.s32 $0xF4280, s19  }
0xbf: {  	[tilespmem:s31], [sflag:$0x1] =	stream.linear.gather [hbm4b:s17+s1], $0x400, $0x38;
	[tilespmem:$0x10600] =	vst v63  }
0xc0: {  	s21 =	sld [smem:$0x7F1];
	s22 =	spop (v2sf)  }
0xc1: {  	(v2sf) =	vpush v18, $0xE;
	[tilespmem:s20], [sflag:$0x2] =	stream.linear.gather [hbm4b:s22+s1], $0x400, $0x38;
	[tilespmem:$0x10600] =	vst v63  }
0xc2: {  	s23 =	sld [smem:$0x7F2];
	s17 =	sadd.s32 $0xF4280, s22  }
0xc3: {  	[tilespmem:s21], [sflag:$0x2] =	stream.linear.gather [hbm4b:s17+s1], $0x400, $0x38;
	[tilespmem:$0x10600] =	vst v63  }
0xc4: {  	s24 =	sld [smem:$0x7F3];
	s25 =	spop (v2sf)  }
0xc5: {  	(v2sf) =	vpush v19, $0xF;
	[tilespmem:s23], [sflag:$0x1] =	stream.linear.gather [hbm4b:s25+s1], $0x400, $0x38;
	[tilespmem:$0x10600] =	vst v63  }
0xc6: {  	s26 =	sld [smem:$0x7F4];
	s17 =	sadd.s32 $0xF4280, s25  }
0xc7: {  	[tilespmem:s24], [sflag:$0x1] =	stream.linear.gather [hbm4b:s17+s1], $0x400, $0x38;
	[tilespmem:$0x10600] =	vst v63  }
0xc8: {  	s29 =	spop (v2sf);
	s28 =	sld [smem:$0x7F5]  }
0xc9: {  	(v2sf) =	vpush v18, $0xF;
	[tilespmem:s26], [sflag:$0x2] =	stream.linear.gather [hbm4b:s29+s1], $0x400, $0x38;
	[tilespmem:$0x10600] =	vst v63  }
0xca: {  	s30 =	sld [smem:$0x7F6];
	s17 =	sadd.s32 $0xF4280, s29  }
0xcb: {  	[tilespmem:s28], [sflag:$0x2] =	stream.linear.gather [hbm4b:s17+s1], $0x400, $0x38;
	[tilespmem:$0x10600] =	vst v63  }
0xcc: {  	s31 =	sld [smem:$0x7F7];
	s19 =	spop (v2sf)  }
0xcd: {  	[tilespmem:s30], [sflag:$0x1] =	stream.linear.gather [hbm4b:s19+s1], $0x400, $0x38;
	[tilespmem:$0x10600] =	vst v63  }
0xce: {  	s20 =	sld [smem:$0x7F8];
	s17 =	sadd.s32 $0xF4280, s19  }
0xcf: {  	[tilespmem:s31], [sflag:$0x1] =	stream.linear.gather [hbm4b:s17+s1], $0x400, $0x38;
	[tilespmem:$0x10600] =	vst v63  }
0xd0: {  	s21 =	sld [smem:$0x7F9];
	s22 =	spop (v2sf)  }
0xd1: {  	[tilespmem:s20], [sflag:$0x2] =	stream.linear.gather [hbm4b:s22+s1], $0x400, $0x38;
	[tilespmem:$0x10600] =	vst v63  }
0xd2: {  	s23 =	sld [smem:$0x7FA];
	s17 =	sadd.s32 $0xF4280, s22  }
0xd3: {  	[tilespmem:s21], [sflag:$0x2] =	stream.linear.gather [hbm4b:s17+s1], $0x400, $0x38;
	[tilespmem:$0x10600] =	vst v63  }
0xd4: {  	s24 =	sld [smem:$0x7FB];
	s25 =	spop (v2sf)  }
0xd5: {  	[tilespmem:s23], [sflag:$0x1] =	stream.linear.gather [hbm4b:s25+s1], $0x400, $0x38;
	[tilespmem:$0x10600] =	vst v63  }
0xd6: {  	s26 =	sld [smem:$0x7FC];
	s17 =	sadd.s32 $0xF4280, s25  }
0xd7: {  	[tilespmem:s24], [sflag:$0x1] =	stream.linear.gather [hbm4b:s17+s1], $0x400, $0x38;
	[tilespmem:$0x10600] =	vst v63  }
0xd8: {  	s29 =	spop (v2sf);
	s28 =	sld [smem:$0x7FD]  }
0xd9: {  	[tilespmem:s26], [sflag:$0x2] =	stream.linear.gather [hbm4b:s29+s1], $0x400, $0x38;
	[tilespmem:$0x10600] =	vst v63  }
0xda: {  	s17 =	sadd.s32 $0xF4280, s29  }
0xdb: {  	[tilespmem:s28], [sflag:$0x2] =	stream.linear.gather [hbm4b:s17+s1], $0x400, $0x38;
	[tilespmem:$0x10600] =	vst v63  }
0xdc: {  	_ =	swait.ge [sflag:s11], $0x800  }
0xdd: {  	[sflag:s11] =	ssyncset.done $0x0  }
0xde: {  	[sflag:s11] =	ssyncadd.s32 $0xFFFFF800  }
0xdf: {  	_ =	swait.ge [sflag:s12], $0x800  }
0xe0: {  	[sflag:s12] =	ssyncset.done $0x0  }
0xe1: {  	[sflag:s12] =	ssyncadd.s32 $0xFFFFF800  }
0xe2: {  	_ =	swait.ge [sflag:s11], $0x800  }
0xe3: {  	[sflag:s11] =	ssyncset.done $0x0  }
0xe4: {  	[sflag:s11] =	ssyncadd.s32 $0xFFFFF800  }
0xe5: {  	_ =	swait.ge [sflag:s12], $0x800  }
0xe6: {  	[sflag:s12] =	ssyncset.done $0x0  }
0xe7: {  	[sflag:s12] =	ssyncadd.s32 $0xFFFFF800  }
0xe8: {  	_ =	swait.ge [sflag:s11], $0x800  }
0xe9: {  	[sflag:s11] =	ssyncset.done $0x0  }
0xea: {  	[sflag:s11] =	ssyncadd.s32 $0xFFFFF800  }
0xeb: {  	_ =	swait.ge [sflag:s12], $0x800  }
0xec: {  	[sflag:s12] =	ssyncset.done $0x0  }
0xed: {  	[sflag:s12] =	ssyncadd.s32 $0xFFFFF800  }
0xee: {  	_ =	swait.ge [sflag:s11], $0x800  }
0xef: {  	[sflag:s11] =	ssyncset.done $0x0  }
0xf0: {  	[sflag:s11] =	ssyncadd.s32 $0xFFFFF800  }
0xf1: {  	_ =	swait.ge [sflag:s12], $0x800  }
0xf2: {  	[sflag:s12] =	ssyncset.done $0x0  }
0xf3: {  	[sflag:s12] =	ssyncadd.s32 $0xFFFFF800  }
0xf4: {  	_ =	swait.ge [sflag:s11], $0x800  }
0xf5: {  	[sflag:s11] =	ssyncset.done $0x0  }
0xf6: {  	[sflag:s11] =	ssyncadd.s32 $0xFFFFF800  }
0xf7: {  	_ =	swait.ge [sflag:s12], $0x800  }
0xf8: {  	[sflag:s12] =	ssyncset.done $0x0  }
0xf9: {  	[sflag:s12] =	ssyncadd.s32 $0xFFFFF800  }
0xfa: {  	_ =	swait.ge [sflag:s11], $0x800  }
0xfb: {  	[sflag:s11] =	ssyncset.done $0x0  }
0xfc: {  	[sflag:s11] =	ssyncadd.s32 $0xFFFFF800  }
0xfd: {  	_ =	swait.ge [sflag:s12], $0x800  }
0xfe: {  	[sflag:s12] =	ssyncset.done $0x0  }
0xff: {  	[sflag:s12] =	ssyncadd.s32 $0xFFFFF800  }
0x100: {  	_ =	swait.ge [sflag:s11], $0x800  }
0x101: {  	[sflag:s11] =	ssyncset.done $0x0  }
0x102: {  	[sflag:s11] =	ssyncadd.s32 $0xFFFFF800  }
0x103: {  	_ =	swait.ge [sflag:s12], $0x800  }
0x104: {  	[sflag:s12] =	ssyncset.done $0x0  }
0x105: {  	[sflag:s12] =	ssyncadd.s32 $0xFFFFF800  }
0x106: {  	_ =	swait.ge [sflag:s11], $0x800  }
0x107: {  	[sflag:s11] =	ssyncset.done $0x0  }
0x108: {  	[sflag:s11] =	ssyncadd.s32 $0xFFFFF800  }
0x109: {  	_ =	swait.ge [sflag:s12], $0x800  }
0x10a: {  	[sflag:s12] =	ssyncset.done $0x0  }
0x10b: {  	[sflag:s12] =	ssyncadd.s32 $0xFFFFF800  }
0x10c: {  	_ =	swait.ge [sflag:s11], $0x800  }
0x10d: {  	[sflag:s11] =	ssyncset.done $0x0  }
0x10e: {  	[sflag:s11] =	ssyncadd.s32 $0xFFFFF800  }
0x10f: {  	_ =	swait.ge [sflag:s12], $0x800  }
0x110: {  	[sflag:s12] =	ssyncset.done $0x0  }
0x111: {  	[sflag:s12] =	ssyncadd.s32 $0xFFFFF800  }
0x112: {  	_ =	swait.ge [sflag:s11], $0x800  }
0x113: {  	[sflag:s11] =	ssyncset.done $0x0  }
0x114: {  	[sflag:s11] =	ssyncadd.s32 $0xFFFFF800  }
0x115: {  	_ =	swait.ge [sflag:s12], $0x800  }
0x116: {  	[sflag:s12] =	ssyncset.done $0x0  }
0x117: {  	[sflag:s12] =	ssyncadd.s32 $0xFFFFF800  }
0x118: {  	_ =	swait.ge [sflag:s11], $0x800  }
0x119: {  	[sflag:s11] =	ssyncset.done $0x0  }
0x11a: {  	[sflag:s11] =	ssyncadd.s32 $0xFFFFF800  }
0x11b: {  	_ =	swait.ge [sflag:s12], $0x800  }
0x11c: {  	[sflag:s12] =	ssyncset.done $0x0  }
0x11d: {  	[sflag:s12] =	ssyncadd.s32 $0xFFFFF800  }
0x11e: {  	_ =	swait.ge [sflag:s11], $0x800  }
0x11f: {  	[sflag:s11] =	ssyncset.done $0x0  }
0x120: {  	[sflag:s11] =	ssyncadd.s32 $0xFFFFF800  }
0x121: {  	_ =	swait.ge [sflag:s12], $0x800  }
0x122: {  	[sflag:s12] =	ssyncset.done $0x0  }
0x123: {  	[sflag:s12] =	ssyncadd.s32 $0xFFFFF800  }
0x124: {  	_ =	swait.ge [sflag:s11], $0x800  }
0x125: {  	[sflag:s11] =	ssyncset.done $0x0  }
0x126: {  	[sflag:s11] =	ssyncadd.s32 $0xFFFFF800  }
0x127: {  	_ =	swait.ge [sflag:s12], $0x800  }
0x128: {  	[sflag:s12] =	ssyncset.done $0x0  }
0x129: {  	[sflag:s12] =	ssyncadd.s32 $0xFFFFF800  }
0x12a: {  	_ =	swait.ge [sflag:s11], $0x800  }
0x12b: {  	[sflag:s11] =	ssyncset.done $0x0  }
0x12c: {  	[sflag:s11] =	ssyncadd.s32 $0xFFFFF800  }
0x12d: {  	_ =	swait.ge [sflag:s12], $0x800  }
0x12e: {  	[sflag:s12] =	ssyncset.done $0x0  }
0x12f: {  	[sflag:s12] =	ssyncadd.s32 $0xFFFFF800  }
0x130: {  	_ =	swait.ge [sflag:s11], $0x800  }
0x131: {  	[sflag:s11] =	ssyncset.done $0x0  }
0x132: {  	[sflag:s11] =	ssyncadd.s32 $0xFFFFF800  }
0x133: {  	_ =	swait.ge [sflag:s12], $0x800  }
0x134: {  	[sflag:s12] =	ssyncset.done $0x0  }
0x135: {  	[sflag:s12] =	ssyncadd.s32 $0xFFFFF800  }
0x136: {  	v16 =	vand.u32 $0x7F, v16;
	_ =	swait.ge [sflag:s11], $0x800  }
0x137: {  	v17 =	vand.u32 $0x7F, v17;
	v18 =	vor.u32 v2, v16;
	[sflag:s11] =	ssyncset.done $0x0  }
0x138: {  	v19 =	vor.u32 v2, v17;
	[sflag:s11] =	ssyncadd.s32 $0xFFFFF800  }
0x139: {  	v20 =	vor.u32 v1, v17;
	_ =	swait.ge [sflag:s12], $0x800  }
0x13a: {  	v21 =	vor.u32 v1, v16;
	[sflag:s12] =	ssyncset.done $0x0  }
0x13b: {  	v22 =	vor.u32 v0, v17;
	[sflag:s12] =	ssyncadd.s32 $0xFFFFF800  }
0x13c: {  	v23 =	vor.u32 v0, v16;
	v18 =	vld.idx.msk [tilespmem:v18+s10+$0x0], $0xffff  }
0x13d: {  	v24 =	vor.u32 v11, v17;
	v19 =	vld.idx.msk [tilespmem:v19+s9+$0x0], $0xffff  }
0x13e: {  	v20 =	vld.idx.msk [tilespmem:v20+s9+$0x0], $0xffff  }
0x13f: {  	v25 =	vor.u32 v3, v16;
	v21 =	vld.idx.msk [tilespmem:v21+s10+$0x0], $0xffff  }
0x140: {  	v26 =	vor.u32 v3, v17;
	v22 =	vld.idx.msk [tilespmem:v22+s9+$0x0], $0xffff  }
0x141: {  	v30 =	vor.u32 v5, v17;
	v23 =	vld.idx.msk [tilespmem:v23+s10+$0x0], $0xffff  }
0x142: {  	v31 =	vor.u32 v5, v16;
	s17 =	simm.s32 $0x10;
	v24 =	vld.idx.msk [tilespmem:v24+s9+$0x0], $0xffff  }
0x143: {  	v27 =	vor.u32 v4, v17;
	v28 =	vld [tilespmem:s17+$0x0]  }
0x144: {  	v29 =	vor.u32 v4, v16;
	v25 =	vld.idx.msk [tilespmem:v25+s10+$0x0], $0xffff  }
0x145: {  	v26 =	vld.idx.msk [tilespmem:v26+s9+$0x0], $0xffff  }
0x146: {  	v32 =	vor.u32 v6, v17;
	v36 =	vld.idx.msk [tilespmem:v30+s9+$0x0], $0xffff  }
0x147: {  	v40 =	vor.u32 v9, v16;
	v31 =	vld.idx.msk [tilespmem:v31+s10+$0x0], $0xffff;
	v22 =	vmul.f32 v23, v22  }
0x148: {  	v60 =	vor.u32 v8, v17;
	v27 =	vld.idx.msk [tilespmem:v27+s9+$0x0], $0xffff;
	v23 =	vor.u32 v6, v16  }
0x149: {  	v20 =	vmul.f32 v21, v20;
	v21 =	vld.idx.msk [tilespmem:v29+s10+$0x0], $0xffff;
	v29 =	vor.u32 v7, v17;
	v22 =	vadd.f32 $0.0e+00, v22  }
0x14a: {  	v61 =	vor.u32 v9, v17;
	v41 =	vor.u32 v10, v17;
	v33 =	vld [tilespmem:s17+$0x200];
	v30 =	vor.u32 v7, v16  }
0x14b: {  	v37 =	vor.u32 v8, v16;
	v38 =	vld.idx.msk [tilespmem:v32+s9+$0x0], $0xffff;
	v35 =	vmul.f32 v18, v19;
	v20 =	vadd.f32 v20, v22  }
0x14c: {  	v32 =	vor.u32 v12, v17;
	v34 =	vand.u32 $0xFFFFFF80, v28;
	v63 =	vmul.f32 v31, v36;
	v31 =	vld.idx.msk [tilespmem:v40+s10+$0x0], $0xffff  }
0x14d: {  	s30 =	rddreg [dreg:$0x6];
	v18 =	vor.u32 v13, v16;
	v39 =	vld.idx.msk [tilespmem:v23+s10+$0x0], $0xffff;
	v23 =	vmul.f32 v25, v26;
	v26 =	vadd.f32 v35, v20  }
0x14e: {  	v36 =	vor.u32 v11, v16;
	v19 =	vadd.s32 s30, v34;
	v34 =	vor.u32 v13, v17;
	v25 =	vld.idx.msk [tilespmem:v29+s9+$0x0], $0xffff  }
0x14f: {  	(v2sf) =	vpush v19, $0x0;
	v29 =	vld.idx.msk [tilespmem:v30+s10+$0x0], $0xffff;
	v27 =	vmul.f32 v21, v27;
	v62 =	vadd.f32 v23, v26  }
0x150: {  	s31 =	rddreg [dreg:$0x7];
	(v2sf) =	vpush v19, $0x1;
	v21 =	vand.u32 $0x7F, v28;
	v30 =	vld.idx.msk [tilespmem:v37+s10+$0x0], $0xffff;
	v20 =	vand.u32 $0xFFFFFF80, v33  }
0x151: {  	v28 =	vld.idx.msk [tilespmem:v61+s9+$0x0], $0xffff;
	v35 =	vor.u32 v10, v16;
	v20 =	vadd.s32 s31, v20;
	v27 =	vadd.f32 v27, v62  }
0x152: {  	v22 =	vand.u32 $0x7F, v33;
	v33 =	vor.u32 v12, v16;
	v26 =	vld.idx.msk [tilespmem:v60+s9+$0x0], $0xffff;
	(v2sf) =	vpush v20, $0x0  }
0x153: {  	s16 =	simm.s32 $0x80;
	v23 =	vor.u32 v13, v22;
	v37 =	vmul.f32 v39, v38;
	v38 =	vadd.f32 v63, v27;
	v27 =	vld.idx.msk [tilespmem:v41+s9+$0x0], $0xffff  }
.LBB2_2:
0x154: {  	_ = 	snop  }
0x155: {  	v50 =	vadd.f32 v37, v38;
	v25 =	vmul.f32 v29, v25  }
0x156: {  	v29 =	vld.idx.msk [tilespmem:v35+s10+$0x0], $0xffff  }
0x157: {  	v36 =	vld.idx.msk [tilespmem:v36+s10+$0x0], $0xffff;
	v51 =	vor.u32 v14, v17;
	v26 =	vmul.f32 v30, v26;
	v25 =	vadd.f32 v25, v50  }
0x158: {  	v52 =	vor.u32 v14, v16;
	v33 =	vld.idx.msk [tilespmem:v33+s10+$0x0], $0xffff;
	v53 =	vor.u32 v15, v17;
	v17 =	vmov v21  }
0x159: {  	v21 =	vmul.f32 v31, v28;
	v31 =	vor.u32 v15, v16;
	v16 =	vmovc v22;
	v22 =	vadd.f32 v26, v25  }
0x15a: {  	v30 =	vld.idx.msk [tilespmem:v32+s9+$0x0], $0xffff  }
0x15b: {  	v25 =	vld.idx.msk [tilespmem:v18+s10+$0x0], $0xffff;
	v18 =	vmov v23;
	v23 =	vmul.f32 v29, v27;
	v21 =	vadd.f32 v21, v22  }
0x15c: {  	v28 =	vld.idx.msk [tilespmem:v34+s9+$0x0], $0xffff  }
0x15d: {  	v24 =	vmul.f32 v36, v24;
	v26 =	vld.idx.msk [tilespmem:v51+s9+$0x0], $0xffff;
	v21 =	vadd.f32 v23, v21  }
0x15e: {  	v22 =	vld.idx.msk [tilespmem:v52+s10+$0x0], $0xffff  }
0x15f: {  	v27 =	vld.idx.msk [tilespmem:v53+s9+$0x0], $0xffff;
	v23 =	vmul.f32 v33, v30;
	v21 =	vadd.f32 v24, v21  }
0x160: {  	v29 =	vld.idx.msk [tilespmem:v31+s10+$0x0], $0xffff  }
0x161: {  	v24 =	vmul.f32 v25, v28;
	v21 =	vadd.f32 v23, v21;
	_ =	sdelay $0x1  }
0x162: {  	v22 =	vmul.f32 v22, v26;
	v21 =	vadd.f32 v24, v21  }
0x163: {  	s19 =	spop (v2sf)  }
0x164: {  	s20 =	spop (v2sf);
	v23 =	vmul.f32 v29, v27;
	v21 =	vadd.f32 v22, v21  }
0x165: {  	s21 =	spop (v2sf);
	(v2sf) =	vpush v20, $0x1  }
0x166: {  	v21 =	vadd.f32 v23, v21;
	_ =	sdelay $0x1  }
0x167: {  	[tilespmem:s15+$0x10400] =	vst v21  }
0x168: {  	(v2sf) =	vpush v19, $0x2;
	[tilespmem:s9], [sflag:$0x1] =	stream.linear.gather [hbm4b:s19+s1], $0x400, $0x38;
	[tilespmem:$0x10600] =	vst v63  }
0x169: {  	s22 =	rddreg [dreg:$0x8];
	s28 =	sadd.s32 $0xF4280, s19  }
0x16a: {  	[tilespmem:s22], [sflag:$0x1] =	stream.linear.gather [hbm4b:s28+s1], $0x400, $0x38;
	[tilespmem:$0x10600] =	vst v63  }
0x16b: {  	s29 =	rddreg [dreg:$0x9]  }
0x16c: {  	(v2sf) =	vpush v20, $0x2;
	[tilespmem:s10], [sflag:$0x2] =	stream.linear.gather [hbm4b:s21+s1], $0x400, $0x38;
	[tilespmem:$0x10600] =	vst v63  }
0x16d: {  	s31 =	rddreg [dreg:$0xa];
	s30 =	sadd.s32 $0xF4280, s21  }
0x16e: {  	[tilespmem:s29], [sflag:$0x2] =	stream.linear.gather [hbm4b:s30+s1], $0x400, $0x38;
	[tilespmem:$0x10600] =	vst v63  }
0x16f: {  	s23 =	rddreg [dreg:$0xd]  }
0x170: {  	(v2sf) =	vpush v19, $0x3;
	[tilespmem:s31], [sflag:$0x1] =	stream.linear.gather [hbm4b:s20+s1], $0x400, $0x38;
	[tilespmem:$0x10600] =	vst v63  }
0x171: {  	s19 =	rddreg [dreg:$0xb];
	s21 =	sadd.s32 $0xF4280, s20  }
0x172: {  	[tilespmem:s19], [sflag:$0x1] =	stream.linear.gather [hbm4b:s21+s1], $0x400, $0x38;
	[tilespmem:$0x10600] =	vst v63  }
0x173: {  	s22 =	rddreg [dreg:$0xc];
	s24 =	spop (v2sf)  }
0x174: {  	(v2sf) =	vpush v20, $0x3;
	[tilespmem:s22], [sflag:$0x2] =	stream.linear.gather [hbm4b:s24+s1], $0x400, $0x38;
	[tilespmem:$0x10600] =	vst v63  }
0x175: {  	s25 =	rddreg [dreg:$0xe];
	s19 =	sadd.s32 $0xF4280, s24  }
0x176: {  	[tilespmem:s23], [sflag:$0x2] =	stream.linear.gather [hbm4b:s19+s1], $0x400, $0x38;
	[tilespmem:$0x10600] =	vst v63  }
0x177: {  	s26 =	rddreg [dreg:$0xf];
	s28 =	spop (v2sf)  }
0x178: {  	(v2sf) =	vpush v19, $0x4;
	[tilespmem:s25], [sflag:$0x1] =	stream.linear.gather [hbm4b:s28+s1], $0x400, $0x38;
	[tilespmem:$0x10600] =	vst v63  }
0x179: {  	s29 =	rddreg [dreg:$0x10];
	s19 =	sadd.s32 $0xF4280, s28  }
0x17a: {  	[tilespmem:s26], [sflag:$0x1] =	stream.linear.gather [hbm4b:s19+s1], $0x400, $0x38;
	[tilespmem:$0x10600] =	vst v63  }
0x17b: {  	s30 =	rddreg [dreg:$0x11];
	s31 =	spop (v2sf)  }
0x17c: {  	(v2sf) =	vpush v20, $0x4;
	[tilespmem:s29], [sflag:$0x2] =	stream.linear.gather [hbm4b:s31+s1], $0x400, $0x38;
	[tilespmem:$0x10600] =	vst v63  }
0x17d: {  	s21 =	rddreg [dreg:$0x12];
	s19 =	sadd.s32 $0xF4280, s31  }
0x17e: {  	[tilespmem:s30], [sflag:$0x2] =	stream.linear.gather [hbm4b:s19+s1], $0x400, $0x38;
	[tilespmem:$0x10600] =	vst v63  }
0x17f: {  	s22 =	rddreg [dreg:$0x13];
	s23 =	spop (v2sf)  }
0x180: {  	(v2sf) =	vpush v19, $0x5;
	[tilespmem:s21], [sflag:$0x1] =	stream.linear.gather [hbm4b:s23+s1], $0x400, $0x38;
	[tilespmem:$0x10600] =	vst v63  }
0x181: {  	s24 =	rddreg [dreg:$0x14];
	s19 =	sadd.s32 $0xF4280, s23  }
0x182: {  	[tilespmem:s22], [sflag:$0x1] =	stream.linear.gather [hbm4b:s19+s1], $0x400, $0x38;
	[tilespmem:$0x10600] =	vst v63  }
0x183: {  	s25 =	rddreg [dreg:$0x15];
	s26 =	spop (v2sf)  }
0x184: {  	(v2sf) =	vpush v20, $0x5;
	[tilespmem:s24], [sflag:$0x2] =	stream.linear.gather [hbm4b:s26+s1], $0x400, $0x38;
	[tilespmem:$0x10600] =	vst v63  }
0x185: {  	s28 =	rddreg [dreg:$0x16];
	s19 =	sadd.s32 $0xF4280, s26  }
0x186: {  	[tilespmem:s25], [sflag:$0x2] =	stream.linear.gather [hbm4b:s19+s1], $0x400, $0x38;
	[tilespmem:$0x10600] =	vst v63  }
0x187: {  	s29 =	rddreg [dreg:$0x17];
	s30 =	spop (v2sf)  }
0x188: {  	(v2sf) =	vpush v19, $0x6;
	[tilespmem:s28], [sflag:$0x1] =	stream.linear.gather [hbm4b:s30+s1], $0x400, $0x38;
	[tilespmem:$0x10600] =	vst v63  }
0x189: {  	s31 =	rddreg [dreg:$0x18];
	s19 =	sadd.s32 $0xF4280, s30  }
0x18a: {  	[tilespmem:s29], [sflag:$0x1] =	stream.linear.gather [hbm4b:s19+s1], $0x400, $0x38;
	[tilespmem:$0x10600] =	vst v63  }
0x18b: {  	s21 =	rddreg [dreg:$0x19];
	s22 =	spop (v2sf)  }
0x18c: {  	(v2sf) =	vpush v20, $0x6;
	[tilespmem:s31], [sflag:$0x2] =	stream.linear.gather [hbm4b:s22+s1], $0x400, $0x38;
	[tilespmem:$0x10600] =	vst v63  }
0x18d: {  	s23 =	rddreg [dreg:$0x1a];
	s19 =	sadd.s32 $0xF4280, s22  }
0x18e: {  	[tilespmem:s21], [sflag:$0x2] =	stream.linear.gather [hbm4b:s19+s1], $0x400, $0x38;
	[tilespmem:$0x10600] =	vst v63  }
0x18f: {  	s24 =	rddreg [dreg:$0x1b];
	s25 =	spop (v2sf)  }
0x190: {  	(v2sf) =	vpush v19, $0x7;
	[tilespmem:s23], [sflag:$0x1] =	stream.linear.gather [hbm4b:s25+s1], $0x400, $0x38;
	[tilespmem:$0x10600] =	vst v63  }
0x191: {  	s26 =	rddreg [dreg:$0x1c];
	s19 =	sadd.s32 $0xF4280, s25  }
0x192: {  	[tilespmem:s24], [sflag:$0x1] =	stream.linear.gather [hbm4b:s19+s1], $0x400, $0x38;
	[tilespmem:$0x10600] =	vst v63  }
0x193: {  	s28 =	rddreg [dreg:$0x1d];
	s29 =	spop (v2sf)  }
0x194: {  	(v2sf) =	vpush v20, $0x7;
	[tilespmem:s26], [sflag:$0x2] =	stream.linear.gather [hbm4b:s29+s1], $0x400, $0x38;
	[tilespmem:$0x10600] =	vst v63  }
0x195: {  	s30 =	rddreg [dreg:$0x1e];
	s19 =	sadd.s32 $0xF4280, s29  }
0x196: {  	[tilespmem:s28], [sflag:$0x2] =	stream.linear.gather [hbm4b:s19+s1], $0x400, $0x38;
	[tilespmem:$0x10600] =	vst v63  }
0x197: {  	s31 =	rddreg [dreg:$0x1f];
	s21 =	spop (v2sf)  }
0x198: {  	(v2sf) =	vpush v19, $0x8;
	[tilespmem:s30], [sflag:$0x1] =	stream.linear.gather [hbm4b:s21+s1], $0x400, $0x38;
	[tilespmem:$0x10600] =	vst v63  }
0x199: {  	s22 =	sld [smem:$0x7D8];
	s19 =	sadd.s32 $0xF4280, s21  }
0x19a: {  	[tilespmem:s31], [sflag:$0x1] =	stream.linear.gather [hbm4b:s19+s1], $0x400, $0x38;
	[tilespmem:$0x10600] =	vst v63  }
0x19b: {  	s23 =	sld [smem:$0x7D9];
	s24 =	spop (v2sf)  }
0x19c: {  	(v2sf) =	vpush v20, $0x8;
	[tilespmem:s22], [sflag:$0x2] =	stream.linear.gather [hbm4b:s24+s1], $0x400, $0x38;
	[tilespmem:$0x10600] =	vst v63  }
0x19d: {  	s25 =	sld [smem:$0x7DA];
	s19 =	sadd.s32 $0xF4280, s24  }
0x19e: {  	[tilespmem:s23], [sflag:$0x2] =	stream.linear.gather [hbm4b:s19+s1], $0x400, $0x38;
	[tilespmem:$0x10600] =	vst v63  }
0x19f: {  	s26 =	sld [smem:$0x7DB];
	s28 =	spop (v2sf)  }
0x1a0: {  	(v2sf) =	vpush v19, $0x9;
	[tilespmem:s25], [sflag:$0x1] =	stream.linear.gather [hbm4b:s28+s1], $0x400, $0x38;
	[tilespmem:$0x10600] =	vst v63  }
0x1a1: {  	s29 =	sld [smem:$0x7DC];
	s19 =	sadd.s32 $0xF4280, s28  }
0x1a2: {  	[tilespmem:s26], [sflag:$0x1] =	stream.linear.gather [hbm4b:s19+s1], $0x400, $0x38;
	[tilespmem:$0x10600] =	vst v63  }
0x1a3: {  	s30 =	sld [smem:$0x7DD];
	s31 =	spop (v2sf)  }
0x1a4: {  	(v2sf) =	vpush v20, $0x9;
	[tilespmem:s29], [sflag:$0x2] =	stream.linear.gather [hbm4b:s31+s1], $0x400, $0x38;
	[tilespmem:$0x10600] =	vst v63  }
0x1a5: {  	s21 =	sld [smem:$0x7DE];
	s19 =	sadd.s32 $0xF4280, s31  }
0x1a6: {  	[tilespmem:s30], [sflag:$0x2] =	stream.linear.gather [hbm4b:s19+s1], $0x400, $0x38;
	[tilespmem:$0x10600] =	vst v63  }
0x1a7: {  	s22 =	sld [smem:$0x7DF];
	s23 =	spop (v2sf)  }
0x1a8: {  	(v2sf) =	vpush v19, $0xA;
	[tilespmem:s21], [sflag:$0x1] =	stream.linear.gather [hbm4b:s23+s1], $0x400, $0x38;
	[tilespmem:$0x10600] =	vst v63  }
0x1a9: {  	s24 =	sld [smem:$0x7E0];
	s19 =	sadd.s32 $0xF4280, s23  }
0x1aa: {  	[tilespmem:s22], [sflag:$0x1] =	stream.linear.gather [hbm4b:s19+s1], $0x400, $0x38;
	[tilespmem:$0x10600] =	vst v63  }
0x1ab: {  	s25 =	sld [smem:$0x7E1];
	s26 =	spop (v2sf)  }
0x1ac: {  	(v2sf) =	vpush v20, $0xA;
	[tilespmem:s24], [sflag:$0x2] =	stream.linear.gather [hbm4b:s26+s1], $0x400, $0x38;
	[tilespmem:$0x10600] =	vst v63  }
0x1ad: {  	s28 =	sld [smem:$0x7E2];
	s19 =	sadd.s32 $0xF4280, s26  }
0x1ae: {  	[tilespmem:s25], [sflag:$0x2] =	stream.linear.gather [hbm4b:s19+s1], $0x400, $0x38;
	[tilespmem:$0x10600] =	vst v63  }
0x1af: {  	s29 =	sld [smem:$0x7E3];
	s30 =	spop (v2sf)  }
0x1b0: {  	(v2sf) =	vpush v19, $0xB;
	[tilespmem:s28], [sflag:$0x1] =	stream.linear.gather [hbm4b:s30+s1], $0x400, $0x38;
	[tilespmem:$0x10600] =	vst v63  }
0x1b1: {  	s31 =	sld [smem:$0x7E4];
	s19 =	sadd.s32 $0xF4280, s30  }
0x1b2: {  	[tilespmem:s29], [sflag:$0x1] =	stream.linear.gather [hbm4b:s19+s1], $0x400, $0x38;
	[tilespmem:$0x10600] =	vst v63  }
0x1b3: {  	s21 =	sld [smem:$0x7E5];
	s22 =	spop (v2sf)  }
0x1b4: {  	(v2sf) =	vpush v20, $0xB;
	[tilespmem:s31], [sflag:$0x2] =	stream.linear.gather [hbm4b:s22+s1], $0x400, $0x38;
	[tilespmem:$0x10600] =	vst v63  }
0x1b5: {  	s23 =	sld [smem:$0x7E6];
	s19 =	sadd.s32 $0xF4280, s22  }
0x1b6: {  	[tilespmem:s21], [sflag:$0x2] =	stream.linear.gather [hbm4b:s19+s1], $0x400, $0x38;
	[tilespmem:$0x10600] =	vst v63  }
0x1b7: {  	s24 =	sld [smem:$0x7E7];
	s25 =	spop (v2sf)  }
0x1b8: {  	(v2sf) =	vpush v19, $0xC;
	[tilespmem:s23], [sflag:$0x1] =	stream.linear.gather [hbm4b:s25+s1], $0x400, $0x38;
	[tilespmem:$0x10600] =	vst v63  }
0x1b9: {  	s26 =	sld [smem:$0x7E8];
	s19 =	sadd.s32 $0xF4280, s25  }
0x1ba: {  	[tilespmem:s24], [sflag:$0x1] =	stream.linear.gather [hbm4b:s19+s1], $0x400, $0x38;
	[tilespmem:$0x10600] =	vst v63  }
0x1bb: {  	s28 =	sld [smem:$0x7E9];
	s29 =	spop (v2sf)  }
0x1bc: {  	(v2sf) =	vpush v20, $0xC;
	[tilespmem:s26], [sflag:$0x2] =	stream.linear.gather [hbm4b:s29+s1], $0x400, $0x38;
	[tilespmem:$0x10600] =	vst v63  }
0x1bd: {  	s30 =	sld [smem:$0x7EA];
	s19 =	sadd.s32 $0xF4280, s29  }
0x1be: {  	[tilespmem:s28], [sflag:$0x2] =	stream.linear.gather [hbm4b:s19+s1], $0x400, $0x38;
	[tilespmem:$0x10600] =	vst v63  }
0x1bf: {  	s31 =	sld [smem:$0x7EB];
	s21 =	spop (v2sf)  }
0x1c0: {  	(v2sf) =	vpush v19, $0xD;
	[tilespmem:s30], [sflag:$0x1] =	stream.linear.gather [hbm4b:s21+s1], $0x400, $0x38;
	[tilespmem:$0x10600] =	vst v63  }
0x1c1: {  	s22 =	sld [smem:$0x7EC];
	s19 =	sadd.s32 $0xF4280, s21  }
0x1c2: {  	[tilespmem:s31], [sflag:$0x1] =	stream.linear.gather [hbm4b:s19+s1], $0x400, $0x38;
	[tilespmem:$0x10600] =	vst v63  }
0x1c3: {  	s23 =	sld [smem:$0x7ED];
	s24 =	spop (v2sf)  }
0x1c4: {  	(v2sf) =	vpush v20, $0xD;
	[tilespmem:s22], [sflag:$0x2] =	stream.linear.gather [hbm4b:s24+s1], $0x400, $0x38;
	[tilespmem:$0x10600] =	vst v63  }
0x1c5: {  	s25 =	sld [smem:$0x7EE];
	s19 =	sadd.s32 $0xF4280, s24  }
0x1c6: {  	[tilespmem:s23], [sflag:$0x2] =	stream.linear.gather [hbm4b:s19+s1], $0x400, $0x38;
	[tilespmem:$0x10600] =	vst v63  }
0x1c7: {  	s26 =	sld [smem:$0x7EF];
	s28 =	spop (v2sf)  }
0x1c8: {  	(v2sf) =	vpush v19, $0xE;
	[tilespmem:s25], [sflag:$0x1] =	stream.linear.gather [hbm4b:s28+s1], $0x400, $0x38;
	[tilespmem:$0x10600] =	vst v63  }
0x1c9: {  	s29 =	sld [smem:$0x7F0];
	s19 =	sadd.s32 $0xF4280, s28  }
0x1ca: {  	[tilespmem:s26], [sflag:$0x1] =	stream.linear.gather [hbm4b:s19+s1], $0x400, $0x38;
	[tilespmem:$0x10600] =	vst v63  }
0x1cb: {  	s30 =	sld [smem:$0x7F1];
	s31 =	spop (v2sf)  }
0x1cc: {  	(v2sf) =	vpush v20, $0xE;
	[tilespmem:s29], [sflag:$0x2] =	stream.linear.gather [hbm4b:s31+s1], $0x400, $0x38;
	[tilespmem:$0x10600] =	vst v63  }
0x1cd: {  	s21 =	sld [smem:$0x7F2];
	s19 =	sadd.s32 $0xF4280, s31  }
0x1ce: {  	[tilespmem:s30], [sflag:$0x2] =	stream.linear.gather [hbm4b:s19+s1], $0x400, $0x38;
	[tilespmem:$0x10600] =	vst v63  }
0x1cf: {  	s22 =	sld [smem:$0x7F3];
	s23 =	spop (v2sf)  }
0x1d0: {  	(v2sf) =	vpush v19, $0xF;
	[tilespmem:s21], [sflag:$0x1] =	stream.linear.gather [hbm4b:s23+s1], $0x400, $0x38;
	[tilespmem:$0x10600] =	vst v63  }
0x1d1: {  	s24 =	sld [smem:$0x7F4];
	s19 =	sadd.s32 $0xF4280, s23  }
0x1d2: {  	[tilespmem:s22], [sflag:$0x1] =	stream.linear.gather [hbm4b:s19+s1], $0x400, $0x38;
	[tilespmem:$0x10600] =	vst v63  }
0x1d3: {  	s25 =	sld [smem:$0x7F5];
	s26 =	spop (v2sf)  }
0x1d4: {  	(v2sf) =	vpush v20, $0xF;
	[tilespmem:s24], [sflag:$0x2] =	stream.linear.gather [hbm4b:s26+s1], $0x400, $0x38;
	[tilespmem:$0x10600] =	vst v63  }
0x1d5: {  	s28 =	sld [smem:$0x7F6];
	s19 =	sadd.s32 $0xF4280, s26  }
0x1d6: {  	[tilespmem:s25], [sflag:$0x2] =	stream.linear.gather [hbm4b:s19+s1], $0x400, $0x38;
	[tilespmem:$0x10600] =	vst v63  }
0x1d7: {  	s29 =	sld [smem:$0x7F7];
	s30 =	spop (v2sf)  }
0x1d8: {  	[tilespmem:s28], [sflag:$0x1] =	stream.linear.gather [hbm4b:s30+s1], $0x400, $0x38;
	[tilespmem:$0x10600] =	vst v63  }
0x1d9: {  	s31 =	sld [smem:$0x7F8];
	s19 =	sadd.s32 $0xF4280, s30  }
0x1da: {  	[tilespmem:s29], [sflag:$0x1] =	stream.linear.gather [hbm4b:s19+s1], $0x400, $0x38;
	[tilespmem:$0x10600] =	vst v63  }
0x1db: {  	s21 =	sld [smem:$0x7F9];
	s22 =	spop (v2sf)  }
0x1dc: {  	[tilespmem:s31], [sflag:$0x2] =	stream.linear.gather [hbm4b:s22+s1], $0x400, $0x38;
	[tilespmem:$0x10600] =	vst v63  }
0x1dd: {  	s23 =	sld [smem:$0x7FA];
	s19 =	sadd.s32 $0xF4280, s22  }
0x1de: {  	[tilespmem:s21], [sflag:$0x2] =	stream.linear.gather [hbm4b:s19+s1], $0x400, $0x38;
	[tilespmem:$0x10600] =	vst v63  }
0x1df: {  	s24 =	sld [smem:$0x7FB];
	s25 =	spop (v2sf)  }
0x1e0: {  	[tilespmem:s23], [sflag:$0x1] =	stream.linear.gather [hbm4b:s25+s1], $0x400, $0x38;
	[tilespmem:$0x10600] =	vst v63  }
0x1e1: {  	s26 =	sld [smem:$0x7FC];
	s19 =	sadd.s32 $0xF4280, s25  }
0x1e2: {  	[tilespmem:s24], [sflag:$0x1] =	stream.linear.gather [hbm4b:s19+s1], $0x400, $0x38;
	[tilespmem:$0x10600] =	vst v63  }
0x1e3: {  	s28 =	sld [smem:$0x7FD];
	s29 =	spop (v2sf)  }
0x1e4: {  	[tilespmem:s26], [sflag:$0x2] =	stream.linear.gather [hbm4b:s29+s1], $0x400, $0x38;
	[tilespmem:$0x10600] =	vst v63  }
0x1e5: {  	s19 =	sadd.s32 $0xF4280, s29  }
0x1e6: {  	[tilespmem:s28], [sflag:$0x2] =	stream.linear.gather [hbm4b:s19+s1], $0x400, $0x38;
	[tilespmem:$0x10600] =	vst v63  }
0x1e7: {  	_ =	swait.ge [sflag:s11], $0x800  }
0x1e8: {  	[sflag:s11] =	ssyncset.done $0x0  }
0x1e9: {  	[sflag:s11] =	ssyncadd.s32 $0xFFFFF800  }
0x1ea: {  	_ =	swait.ge [sflag:s12], $0x800  }
0x1eb: {  	[sflag:s12] =	ssyncset.done $0x0  }
0x1ec: {  	[sflag:s12] =	ssyncadd.s32 $0xFFFFF800  }
0x1ed: {  	_ =	swait.ge [sflag:s11], $0x800  }
0x1ee: {  	[sflag:s11] =	ssyncset.done $0x0  }
0x1ef: {  	[sflag:s11] =	ssyncadd.s32 $0xFFFFF800  }
0x1f0: {  	_ =	swait.ge [sflag:s12], $0x800  }
0x1f1: {  	[sflag:s12] =	ssyncset.done $0x0  }
0x1f2: {  	[sflag:s12] =	ssyncadd.s32 $0xFFFFF800  }
0x1f3: {  	_ =	swait.ge [sflag:s11], $0x800  }
0x1f4: {  	[sflag:s11] =	ssyncset.done $0x0  }
0x1f5: {  	[sflag:s11] =	ssyncadd.s32 $0xFFFFF800  }
0x1f6: {  	_ =	swait.ge [sflag:s12], $0x800  }
0x1f7: {  	[sflag:s12] =	ssyncset.done $0x0  }
0x1f8: {  	[sflag:s12] =	ssyncadd.s32 $0xFFFFF800  }
0x1f9: {  	_ =	swait.ge [sflag:s11], $0x800  }
0x1fa: {  	[sflag:s11] =	ssyncset.done $0x0  }
0x1fb: {  	[sflag:s11] =	ssyncadd.s32 $0xFFFFF800  }
0x1fc: {  	_ =	swait.ge [sflag:s12], $0x800  }
0x1fd: {  	[sflag:s12] =	ssyncset.done $0x0  }
0x1fe: {  	[sflag:s12] =	ssyncadd.s32 $0xFFFFF800  }
0x1ff: {  	_ =	swait.ge [sflag:s11], $0x800  }
0x200: {  	[sflag:s11] =	ssyncset.done $0x0  }
0x201: {  	[sflag:s11] =	ssyncadd.s32 $0xFFFFF800  }
0x202: {  	_ =	swait.ge [sflag:s12], $0x800  }
0x203: {  	[sflag:s12] =	ssyncset.done $0x0  }
0x204: {  	[sflag:s12] =	ssyncadd.s32 $0xFFFFF800  }
0x205: {  	_ =	swait.ge [sflag:s11], $0x800  }
0x206: {  	[sflag:s11] =	ssyncset.done $0x0  }
0x207: {  	[sflag:s11] =	ssyncadd.s32 $0xFFFFF800  }
0x208: {  	_ =	swait.ge [sflag:s12], $0x800  }
0x209: {  	[sflag:s12] =	ssyncset.done $0x0  }
0x20a: {  	[sflag:s12] =	ssyncadd.s32 $0xFFFFF800  }
0x20b: {  	_ =	swait.ge [sflag:s11], $0x800  }
0x20c: {  	[sflag:s11] =	ssyncset.done $0x0  }
0x20d: {  	[sflag:s11] =	ssyncadd.s32 $0xFFFFF800  }
0x20e: {  	_ =	swait.ge [sflag:s12], $0x800  }
0x20f: {  	[sflag:s12] =	ssyncset.done $0x0  }
0x210: {  	[sflag:s12] =	ssyncadd.s32 $0xFFFFF800  }
0x211: {  	_ =	swait.ge [sflag:s11], $0x800  }
0x212: {  	[sflag:s11] =	ssyncset.done $0x0  }
0x213: {  	[sflag:s11] =	ssyncadd.s32 $0xFFFFF800  }
0x214: {  	_ =	swait.ge [sflag:s12], $0x800  }
0x215: {  	[sflag:s12] =	ssyncset.done $0x0  }
0x216: {  	[sflag:s12] =	ssyncadd.s32 $0xFFFFF800  }
0x217: {  	_ =	swait.ge [sflag:s11], $0x800  }
0x218: {  	[sflag:s11] =	ssyncset.done $0x0  }
0x219: {  	[sflag:s11] =	ssyncadd.s32 $0xFFFFF800  }
0x21a: {  	_ =	swait.ge [sflag:s12], $0x800  }
0x21b: {  	[sflag:s12] =	ssyncset.done $0x0  }
0x21c: {  	[sflag:s12] =	ssyncadd.s32 $0xFFFFF800  }
0x21d: {  	_ =	swait.ge [sflag:s11], $0x800  }
0x21e: {  	[sflag:s11] =	ssyncset.done $0x0  }
0x21f: {  	[sflag:s11] =	ssyncadd.s32 $0xFFFFF800  }
0x220: {  	_ =	swait.ge [sflag:s12], $0x800  }
0x221: {  	[sflag:s12] =	ssyncset.done $0x0  }
0x222: {  	[sflag:s12] =	ssyncadd.s32 $0xFFFFF800  }
0x223: {  	_ =	swait.ge [sflag:s11], $0x800  }
0x224: {  	[sflag:s11] =	ssyncset.done $0x0  }
0x225: {  	[sflag:s11] =	ssyncadd.s32 $0xFFFFF800  }
0x226: {  	_ =	swait.ge [sflag:s12], $0x800  }
0x227: {  	[sflag:s12] =	ssyncset.done $0x0  }
0x228: {  	[sflag:s12] =	ssyncadd.s32 $0xFFFFF800  }
0x229: {  	_ =	swait.ge [sflag:s11], $0x800  }
0x22a: {  	[sflag:s11] =	ssyncset.done $0x0  }
0x22b: {  	[sflag:s11] =	ssyncadd.s32 $0xFFFFF800  }
0x22c: {  	_ =	swait.ge [sflag:s12], $0x800  }
0x22d: {  	[sflag:s12] =	ssyncset.done $0x0  }
0x22e: {  	[sflag:s12] =	ssyncadd.s32 $0xFFFFF800  }
0x22f: {  	_ =	swait.ge [sflag:s11], $0x800  }
0x230: {  	[sflag:s11] =	ssyncset.done $0x0  }
0x231: {  	[sflag:s11] =	ssyncadd.s32 $0xFFFFF800  }
0x232: {  	_ =	swait.ge [sflag:s12], $0x800  }
0x233: {  	[sflag:s12] =	ssyncset.done $0x0  }
0x234: {  	[sflag:s12] =	ssyncadd.s32 $0xFFFFF800  }
0x235: {  	_ =	swait.ge [sflag:s11], $0x800  }
0x236: {  	[sflag:s11] =	ssyncset.done $0x0  }
0x237: {  	[sflag:s11] =	ssyncadd.s32 $0xFFFFF800  }
0x238: {  	_ =	swait.ge [sflag:s12], $0x800  }
0x239: {  	[sflag:s12] =	ssyncset.done $0x0  }
0x23a: {  	[sflag:s12] =	ssyncadd.s32 $0xFFFFF800  }
0x23b: {  	_ =	swait.ge [sflag:s11], $0x800  }
0x23c: {  	[sflag:s11] =	ssyncset.done $0x0  }
0x23d: {  	[sflag:s11] =	ssyncadd.s32 $0xFFFFF800  }
0x23e: {  	_ =	swait.ge [sflag:s12], $0x800  }
0x23f: {  	[sflag:s12] =	ssyncset.done $0x0  }
0x240: {  	[sflag:s12] =	ssyncadd.s32 $0xFFFFF800  }
0x241: {  	_ =	swait.ge [sflag:s11], $0x800  }
0x242: {  	v19 =	vor.u32 v2, v16;
	[sflag:s11] =	ssyncset.done $0x0  }
0x243: {  	v20 =	vor.u32 v2, v17;
	[sflag:s11] =	ssyncadd.s32 $0xFFFFF800  }
0x244: {  	v21 =	vor.u32 v1, v17;
	_ =	swait.ge [sflag:s12], $0x800  }
0x245: {  	v22 =	vor.u32 v1, v16;
	[sflag:s12] =	ssyncset.done $0x0  }
0x246: {  	v23 =	vor.u32 v0, v17;
	[sflag:s12] =	ssyncadd.s32 $0xFFFFF800  }
0x247: {  	v24 =	vor.u32 v0, v16;
	v19 =	vld.idx.msk [tilespmem:v19+s10+$0x0], $0xffff  }
0x248: {  	v25 =	vor.u32 v11, v17;
	v20 =	vld.idx.msk [tilespmem:v20+s9+$0x0], $0xffff  }
0x249: {  	v21 =	vld.idx.msk [tilespmem:v21+s9+$0x0], $0xffff  }
0x24a: {  	v22 =	vld.idx.msk [tilespmem:v22+s10+$0x0], $0xffff  }
0x24b: {  	v27 =	vor.u32 v3, v17;
	v23 =	vld.idx.msk [tilespmem:v23+s9+$0x0], $0xffff  }
0x24c: {  	s18 =	smov.u32 s16;
	v26 =	vor.u32 v3, v16;
	v28 =	vld.idx.msk [tilespmem:v24+s10+$0x0], $0xffff  }
0x24d: {  	v29 =	vor.u32 v4, v17;
	s15 =	smov.u32 s17;
	s17 =	sshra.s32 s18, $0x2;
	v24 =	vld.idx.msk [tilespmem:v25+s9+$0x0], $0xffff  }
0x24e: {  	v25 =	vld [tilespmem:s17+$0x0]  }
0x24f: {  	v31 =	vor.u32 v5, v16  }
0x250: {  	v27 =	vld.idx.msk [tilespmem:v27+s9+$0x0], $0xffff;
	v30 =	vmul.f32 v19, v20;
	v19 =	vor.u32 v4, v16  }
0x251: {  	v20 =	vld.idx.msk [tilespmem:v26+s10+$0x0], $0xffff;
	v26 =	vor.u32 v5, v17  }
0x252: {  	v54 =	vor.u32 v6, v17;
	v29 =	vld.idx.msk [tilespmem:v29+s9+$0x0], $0xffff;
	v23 =	vmul.f32 v28, v23  }
0x253: {  	v55 =	vld [tilespmem:s17+$0x200];
	v22 =	vmul.f32 v22, v21;
	v28 =	vor.u32 v6, v16;
	v56 =	vand.u32 $0xFFFFFF80, v25  }
0x254: {  	v31 =	vld.idx.msk [tilespmem:v31+s10+$0x0], $0xffff;
	v21 =	vand.u32 $0x7F, v25;
	v25 =	vor.u32 v7, v17;
	v23 =	vadd.f32 $0.0e+00, v23  }
0x255: {  	v60 =	vor.u32 v8, v16;
	v57 =	vld.idx.msk [tilespmem:v19+s10+$0x0], $0xffff  }
0x256: {  	v23 =	vadd.f32 v22, v23;
	v58 =	vld.idx.msk [tilespmem:v26+s9+$0x0], $0xffff;
	v26 =	vor.u32 v7, v16  }
0x257: {  	v59 =	vor.u32 v8, v17;
	v61 =	vld.idx.msk [tilespmem:v54+s9+$0x0], $0xffff  }
0x258: {  	v27 =	vmul.f32 v20, v27;
	v62 =	vld.idx.msk [tilespmem:v28+s10+$0x0], $0xffff;
	v28 =	vor.u32 v9, v17;
	v30 =	vadd.f32 v30, v23  }
0x259: {  	v40 =	vor.u32 v10, v17;
	v32 =	vor.u32 v12, v17;
	v39 =	vor.u32 v9, v16;
	v25 =	vld.idx.msk [tilespmem:v25+s9+$0x0], $0xffff  }
0x25a: {  	p0 =	sne.s32 s16, $0x7C0;
	v35 =	vor.u32 v10, v16;
	v36 =	vor.u32 v11, v16;
	s30 =	rddreg [dreg:$0x6];
	v27 =	vadd.f32 v27, v30;
	v30 =	vld.idx.msk [tilespmem:v60+s10+$0x0], $0xffff  }
.Ltmp0:
0x25b: {  	s31 =	rddreg [dreg:$0x7];
	v19 =	vadd.s32 s30, v56;
	v20 =	vand.u32 $0xFFFFFF80, v55;
	v63 =	vmul.f32 v57, v29;
	v29 =	vld.idx.msk [tilespmem:v26+s10+$0x0], $0xffff;
	(pc) =	sbr.rel @p0 .LBB2_2-.Ltmp0, $4  }
0x25c: {  	v22 =	vand.u32 $0x7F, v55;
	(v2sf) =	vpush v19, $0x0;
	v20 =	vadd.s32 s31, v20;
	v26 =	vld.idx.msk [tilespmem:v59+s9+$0x0], $0xffff  }
0x25d: {  	(v2sf) =	vpush v19, $0x1;
	v34 =	vmul.f32 v31, v58;
	v28 =	vld.idx.msk [tilespmem:v28+s9+$0x0], $0xffff;
	v27 =	vadd.f32 v63, v27  }
0x25e: {  	v33 =	vor.u32 v12, v16;
	v23 =	vor.u32 v13, v22;
	(v2sf) =	vpush v20, $0x0;
	v31 =	vld.idx.msk [tilespmem:v39+s10+$0x0], $0xffff  }
0x25f: {  	s16 =	sadd.s32 $0x40, s16;
	v37 =	vmul.f32 v62, v61;
	v38 =	vadd.f32 v34, v27;
	v27 =	vld.idx.msk [tilespmem:v40+s9+$0x0], $0xffff;
	v34 =	vor.u32 v13, v17  }
0x260: {  	_ =	sdelay $0x2  }
0x261: {  	v25 =	vmul.f32 v29, v25;
	v39 =	vadd.f32 v37, v38  }
0x262: {  	v35 =	vld.idx.msk [tilespmem:v35+s10+$0x0], $0xffff  }
0x263: {  	v26 =	vmul.f32 v30, v26;
	v25 =	vadd.f32 v25, v39  }
0x264: {  	v40 =	vld.idx.msk [tilespmem:v36+s10+$0x0], $0xffff;
	v41 =	vor.u32 v14, v17  }
0x265: {  	v32 =	vld.idx.msk [tilespmem:v32+s9+$0x0], $0xffff;
	v42 =	vor.u32 v14, v16;
	v28 =	vmul.f32 v31, v28;
	v25 =	vadd.f32 v26, v25  }
0x266: {  	v43 =	vld.idx.msk [tilespmem:v33+s10+$0x0], $0xffff;
	v17 =	vor.u32 v15, v17  }
0x267: {  	v44 =	vld.idx.msk [tilespmem:v34+s9+$0x0], $0xffff;
	v16 =	vor.u32 v15, v16;
	v27 =	vmul.f32 v35, v27;
	v25 =	vadd.f32 v28, v25  }
0x268: {  	v18 =	vld.idx.msk [tilespmem:v18+s10+$0x0], $0xffff  }
0x269: {  	v45 =	vld.idx.msk [tilespmem:v41+s9+$0x0], $0xffff;
	v24 =	vmul.f32 v40, v24;
	v25 =	vadd.f32 v27, v25  }
0x26a: {  	v46 =	vld.idx.msk [tilespmem:v42+s10+$0x0], $0xffff  }
0x26b: {  	v17 =	vld.idx.msk [tilespmem:v17+s9+$0x0], $0xffff;
	v26 =	vmul.f32 v43, v32;
	v24 =	vadd.f32 v24, v25  }
0x26c: {  	v16 =	vld.idx.msk [tilespmem:v16+s10+$0x0], $0xffff  }
0x26d: {  	v18 =	vmul.f32 v18, v44;
	v24 =	vadd.f32 v26, v24;
	_ =	sdelay $0x1  }
0x26e: {  	v47 =	vmul.f32 v46, v45;
	v18 =	vadd.f32 v18, v24;
	_ =	sdelay $0x1  }
0x26f: {  	v16 =	vmul.f32 v16, v17;
	v17 =	vadd.f32 v47, v18  }
0x270: {  	(v2sf) =	vpush v20, $0x1  }
0x271: {  	v16 =	vadd.f32 v16, v17;
	_ =	sdelay $0x1  }
0x272: {  	s16 =	spop (v2sf);
	[tilespmem:s15+$0x10400] =	vst v16  }
0x273: {  	(v2sf) =	vpush v19, $0x2;
	[tilespmem:s9], [sflag:$0x1] =	stream.linear.gather [hbm4b:s16+s1], $0x400, $0x38;
	[tilespmem:$0x10600] =	vst v63  }
0x274: {  	s18 =	rddreg [dreg:$0x8];
	s24 =	spop (v2sf);
	s16 =	sadd.s32 $0xF4280, s16  }
0x275: {  	[tilespmem:s18], [sflag:$0x1] =	stream.linear.gather [hbm4b:s16+s1], $0x400, $0x38;
	[tilespmem:$0x10600] =	vst v63  }
0x276: {  	s26 =	rddreg [dreg:$0x9];
	s25 =	spop (v2sf)  }
0x277: {  	(v2sf) =	vpush v20, $0x2;
	[tilespmem:s10], [sflag:$0x2] =	stream.linear.gather [hbm4b:s25+s1], $0x400, $0x38;
	[tilespmem:$0x10600] =	vst v63  }
0x278: {  	s19 =	rddreg [dreg:$0xa];
	s16 =	sadd.s32 $0xF4280, s25  }
0x279: {  	[tilespmem:s26], [sflag:$0x2] =	stream.linear.gather [hbm4b:s16+s1], $0x400, $0x38;
	[tilespmem:$0x10600] =	vst v63  }
0x27a: {  	s28 =	rddreg [dreg:$0xb]  }
0x27b: {  	(v2sf) =	vpush v19, $0x3;
	[tilespmem:s19], [sflag:$0x1] =	stream.linear.gather [hbm4b:s24+s1], $0x400, $0x38;
	[tilespmem:$0x10600] =	vst v63  }
0x27c: {  	s29 =	rddreg [dreg:$0xc];
	s15 =	sadd.s32 $0xF4280, s24  }
0x27d: {  	[tilespmem:s28], [sflag:$0x1] =	stream.linear.gather [hbm4b:s15+s1], $0x400, $0x38;
	[tilespmem:$0x10600] =	vst v63  }
0x27e: {  	s30 =	rddreg [dreg:$0xd];
	s31 =	spop (v2sf)  }
0x27f: {  	(v2sf) =	vpush v20, $0x3;
	[tilespmem:s29], [sflag:$0x2] =	stream.linear.gather [hbm4b:s31+s1], $0x400, $0x38;
	[tilespmem:$0x10600] =	vst v63  }
0x280: {  	s20 =	rddreg [dreg:$0xf];
	s16 =	sadd.s32 $0xF4280, s31  }
0x281: {  	[tilespmem:s30], [sflag:$0x2] =	stream.linear.gather [hbm4b:s16+s1], $0x400, $0x38;
	[tilespmem:$0x10600] =	vst v63  }
0x282: {  	s21 =	spop (v2sf);
	s19 =	rddreg [dreg:$0xe]  }
0x283: {  	(v2sf) =	vpush v19, $0x4;
	[tilespmem:s19], [sflag:$0x1] =	stream.linear.gather [hbm4b:s21+s1], $0x400, $0x38;
	[tilespmem:$0x10600] =	vst v63  }
0x284: {  	s22 =	rddreg [dreg:$0x10];
	s16 =	sadd.s32 $0xF4280, s21  }
0x285: {  	[tilespmem:s20], [sflag:$0x1] =	stream.linear.gather [hbm4b:s16+s1], $0x400, $0x38;
	[tilespmem:$0x10600] =	vst v63  }
0x286: {  	s23 =	rddreg [dreg:$0x11];
	s24 =	spop (v2sf)  }
0x287: {  	(v2sf) =	vpush v20, $0x4;
	[tilespmem:s22], [sflag:$0x2] =	stream.linear.gather [hbm4b:s24+s1], $0x400, $0x38;
	[tilespmem:$0x10600] =	vst v63  }
0x288: {  	s25 =	rddreg [dreg:$0x12];
	s16 =	sadd.s32 $0xF4280, s24  }
0x289: {  	[tilespmem:s23], [sflag:$0x2] =	stream.linear.gather [hbm4b:s16+s1], $0x400, $0x38;
	[tilespmem:$0x10600] =	vst v63  }
0x28a: {  	s26 =	rddreg [dreg:$0x13];
	s28 =	spop (v2sf)  }
0x28b: {  	(v2sf) =	vpush v19, $0x5;
	[tilespmem:s25], [sflag:$0x1] =	stream.linear.gather [hbm4b:s28+s1], $0x400, $0x38;
	[tilespmem:$0x10600] =	vst v63  }
0x28c: {  	s29 =	rddreg [dreg:$0x14];
	s16 =	sadd.s32 $0xF4280, s28  }
0x28d: {  	[tilespmem:s26], [sflag:$0x1] =	stream.linear.gather [hbm4b:s16+s1], $0x400, $0x38;
	[tilespmem:$0x10600] =	vst v63  }
0x28e: {  	s31 =	spop (v2sf);
	s30 =	rddreg [dreg:$0x15]  }
0x28f: {  	(v2sf) =	vpush v20, $0x5;
	[tilespmem:s29], [sflag:$0x2] =	stream.linear.gather [hbm4b:s31+s1], $0x400, $0x38;
	[tilespmem:$0x10600] =	vst v63  }
0x290: {  	s19 =	rddreg [dreg:$0x16];
	s16 =	sadd.s32 $0xF4280, s31  }
0x291: {  	[tilespmem:s30], [sflag:$0x2] =	stream.linear.gather [hbm4b:s16+s1], $0x400, $0x38;
	[tilespmem:$0x10600] =	vst v63  }
0x292: {  	s20 =	rddreg [dreg:$0x17];
	s21 =	spop (v2sf)  }
0x293: {  	(v2sf) =	vpush v19, $0x6;
	[tilespmem:s19], [sflag:$0x1] =	stream.linear.gather [hbm4b:s21+s1], $0x400, $0x38;
	[tilespmem:$0x10600] =	vst v63  }
0x294: {  	s22 =	rddreg [dreg:$0x18];
	s16 =	sadd.s32 $0xF4280, s21  }
0x295: {  	[tilespmem:s20], [sflag:$0x1] =	stream.linear.gather [hbm4b:s16+s1], $0x400, $0x38;
	[tilespmem:$0x10600] =	vst v63  }
0x296: {  	s23 =	rddreg [dreg:$0x19];
	s24 =	spop (v2sf)  }
0x297: {  	(v2sf) =	vpush v20, $0x6;
	[tilespmem:s22], [sflag:$0x2] =	stream.linear.gather [hbm4b:s24+s1], $0x400, $0x38;
	[tilespmem:$0x10600] =	vst v63  }
0x298: {  	s25 =	rddreg [dreg:$0x1a];
	s16 =	sadd.s32 $0xF4280, s24  }
0x299: {  	[tilespmem:s23], [sflag:$0x2] =	stream.linear.gather [hbm4b:s16+s1], $0x400, $0x38;
	[tilespmem:$0x10600] =	vst v63  }
0x29a: {  	s28 =	spop (v2sf);
	s26 =	rddreg [dreg:$0x1b]  }
0x29b: {  	(v2sf) =	vpush v19, $0x7;
	[tilespmem:s25], [sflag:$0x1] =	stream.linear.gather [hbm4b:s28+s1], $0x400, $0x38;
	[tilespmem:$0x10600] =	vst v63  }
0x29c: {  	s29 =	rddreg [dreg:$0x1c];
	s16 =	sadd.s32 $0xF4280, s28  }
0x29d: {  	[tilespmem:s26], [sflag:$0x1] =	stream.linear.gather [hbm4b:s16+s1], $0x400, $0x38;
	[tilespmem:$0x10600] =	vst v63  }
0x29e: {  	s31 =	spop (v2sf);
	s30 =	rddreg [dreg:$0x1d]  }
0x29f: {  	(v2sf) =	vpush v20, $0x7;
	[tilespmem:s29], [sflag:$0x2] =	stream.linear.gather [hbm4b:s31+s1], $0x400, $0x38;
	[tilespmem:$0x10600] =	vst v63  }
0x2a0: {  	s19 =	rddreg [dreg:$0x1e];
	s16 =	sadd.s32 $0xF4280, s31  }
0x2a1: {  	[tilespmem:s30], [sflag:$0x2] =	stream.linear.gather [hbm4b:s16+s1], $0x400, $0x38;
	[tilespmem:$0x10600] =	vst v63  }
0x2a2: {  	s20 =	rddreg [dreg:$0x1f];
	s21 =	spop (v2sf)  }
0x2a3: {  	(v2sf) =	vpush v19, $0x8;
	[tilespmem:s19], [sflag:$0x1] =	stream.linear.gather [hbm4b:s21+s1], $0x400, $0x38;
	[tilespmem:$0x10600] =	vst v63  }
0x2a4: {  	s22 =	sld [smem:$0x7D8];
	s16 =	sadd.s32 $0xF4280, s21  }
0x2a5: {  	[tilespmem:s20], [sflag:$0x1] =	stream.linear.gather [hbm4b:s16+s1], $0x400, $0x38;
	[tilespmem:$0x10600] =	vst v63  }
0x2a6: {  	s23 =	sld [smem:$0x7D9];
	s24 =	spop (v2sf)  }
0x2a7: {  	(v2sf) =	vpush v20, $0x8;
	[tilespmem:s22], [sflag:$0x2] =	stream.linear.gather [hbm4b:s24+s1], $0x400, $0x38;
	[tilespmem:$0x10600] =	vst v63  }
0x2a8: {  	s25 =	sld [smem:$0x7DA];
	s16 =	sadd.s32 $0xF4280, s24  }
0x2a9: {  	[tilespmem:s23], [sflag:$0x2] =	stream.linear.gather [hbm4b:s16+s1], $0x400, $0x38;
	[tilespmem:$0x10600] =	vst v63  }
0x2aa: {  	s28 =	spop (v2sf);
	s26 =	sld [smem:$0x7DB]  }
0x2ab: {  	(v2sf) =	vpush v19, $0x9;
	[tilespmem:s25], [sflag:$0x1] =	stream.linear.gather [hbm4b:s28+s1], $0x400, $0x38;
	[tilespmem:$0x10600] =	vst v63  }
0x2ac: {  	s29 =	sld [smem:$0x7DC];
	s16 =	sadd.s32 $0xF4280, s28  }
0x2ad: {  	[tilespmem:s26], [sflag:$0x1] =	stream.linear.gather [hbm4b:s16+s1], $0x400, $0x38;
	[tilespmem:$0x10600] =	vst v63  }
0x2ae: {  	s31 =	spop (v2sf);
	s30 =	sld [smem:$0x7DD]  }
0x2af: {  	(v2sf) =	vpush v20, $0x9;
	[tilespmem:s29], [sflag:$0x2] =	stream.linear.gather [hbm4b:s31+s1], $0x400, $0x38;
	[tilespmem:$0x10600] =	vst v63  }
0x2b0: {  	s19 =	sld [smem:$0x7DE];
	s16 =	sadd.s32 $0xF4280, s31  }
0x2b1: {  	[tilespmem:s30], [sflag:$0x2] =	stream.linear.gather [hbm4b:s16+s1], $0x400, $0x38;
	[tilespmem:$0x10600] =	vst v63  }
0x2b2: {  	s21 =	spop (v2sf);
	s20 =	sld [smem:$0x7DF]  }
0x2b3: {  	(v2sf) =	vpush v19, $0xA;
	[tilespmem:s19], [sflag:$0x1] =	stream.linear.gather [hbm4b:s21+s1], $0x400, $0x38;
	[tilespmem:$0x10600] =	vst v63  }
0x2b4: {  	s22 =	sld [smem:$0x7E0];
	s16 =	sadd.s32 $0xF4280, s21  }
0x2b5: {  	[tilespmem:s20], [sflag:$0x1] =	stream.linear.gather [hbm4b:s16+s1], $0x400, $0x38;
	[tilespmem:$0x10600] =	vst v63  }
0x2b6: {  	s24 =	spop (v2sf);
	s23 =	sld [smem:$0x7E1]  }
0x2b7: {  	(v2sf) =	vpush v20, $0xA;
	[tilespmem:s22], [sflag:$0x2] =	stream.linear.gather [hbm4b:s24+s1], $0x400, $0x38;
	[tilespmem:$0x10600] =	vst v63  }
0x2b8: {  	s25 =	sld [smem:$0x7E2];
	s16 =	sadd.s32 $0xF4280, s24  }
0x2b9: {  	[tilespmem:s23], [sflag:$0x2] =	stream.linear.gather [hbm4b:s16+s1], $0x400, $0x38;
	[tilespmem:$0x10600] =	vst v63  }
0x2ba: {  	s28 =	spop (v2sf);
	s26 =	sld [smem:$0x7E3]  }
0x2bb: {  	(v2sf) =	vpush v19, $0xB;
	[tilespmem:s25], [sflag:$0x1] =	stream.linear.gather [hbm4b:s28+s1], $0x400, $0x38;
	[tilespmem:$0x10600] =	vst v63  }
0x2bc: {  	s29 =	sld [smem:$0x7E4];
	s16 =	sadd.s32 $0xF4280, s28  }
0x2bd: {  	[tilespmem:s26], [sflag:$0x1] =	stream.linear.gather [hbm4b:s16+s1], $0x400, $0x38;
	[tilespmem:$0x10600] =	vst v63  }
0x2be: {  	s31 =	spop (v2sf);
	s30 =	sld [smem:$0x7E5]  }
0x2bf: {  	(v2sf) =	vpush v20, $0xB;
	[tilespmem:s29], [sflag:$0x2] =	stream.linear.gather [hbm4b:s31+s1], $0x400, $0x38;
	[tilespmem:$0x10600] =	vst v63  }
0x2c0: {  	s19 =	sld [smem:$0x7E6];
	s16 =	sadd.s32 $0xF4280, s31  }
0x2c1: {  	[tilespmem:s30], [sflag:$0x2] =	stream.linear.gather [hbm4b:s16+s1], $0x400, $0x38;
	[tilespmem:$0x10600] =	vst v63  }
0x2c2: {  	s21 =	spop (v2sf);
	s20 =	sld [smem:$0x7E7]  }
0x2c3: {  	(v2sf) =	vpush v19, $0xC;
	[tilespmem:s19], [sflag:$0x1] =	stream.linear.gather [hbm4b:s21+s1], $0x400, $0x38;
	[tilespmem:$0x10600] =	vst v63  }
0x2c4: {  	s22 =	sld [smem:$0x7E8];
	s16 =	sadd.s32 $0xF4280, s21  }
0x2c5: {  	[tilespmem:s20], [sflag:$0x1] =	stream.linear.gather [hbm4b:s16+s1], $0x400, $0x38;
	[tilespmem:$0x10600] =	vst v63  }
0x2c6: {  	s24 =	spop (v2sf);
	s23 =	sld [smem:$0x7E9]  }
0x2c7: {  	(v2sf) =	vpush v20, $0xC;
	[tilespmem:s22], [sflag:$0x2] =	stream.linear.gather [hbm4b:s24+s1], $0x400, $0x38;
	[tilespmem:$0x10600] =	vst v63  }
0x2c8: {  	s25 =	sld [smem:$0x7EA];
	s16 =	sadd.s32 $0xF4280, s24  }
0x2c9: {  	[tilespmem:s23], [sflag:$0x2] =	stream.linear.gather [hbm4b:s16+s1], $0x400, $0x38;
	[tilespmem:$0x10600] =	vst v63  }
0x2ca: {  	s28 =	spop (v2sf);
	s26 =	sld [smem:$0x7EB]  }
0x2cb: {  	(v2sf) =	vpush v19, $0xD;
	[tilespmem:s25], [sflag:$0x1] =	stream.linear.gather [hbm4b:s28+s1], $0x400, $0x38;
	[tilespmem:$0x10600] =	vst v63  }
0x2cc: {  	s29 =	sld [smem:$0x7EC];
	s16 =	sadd.s32 $0xF4280, s28  }
0x2cd: {  	[tilespmem:s26], [sflag:$0x1] =	stream.linear.gather [hbm4b:s16+s1], $0x400, $0x38;
	[tilespmem:$0x10600] =	vst v63  }
0x2ce: {  	s31 =	spop (v2sf);
	s30 =	sld [smem:$0x7ED]  }
0x2cf: {  	(v2sf) =	vpush v20, $0xD;
	[tilespmem:s29], [sflag:$0x2] =	stream.linear.gather [hbm4b:s31+s1], $0x400, $0x38;
	[tilespmem:$0x10600] =	vst v63  }
0x2d0: {  	s19 =	sld [smem:$0x7EE];
	s16 =	sadd.s32 $0xF4280, s31  }
0x2d1: {  	[tilespmem:s30], [sflag:$0x2] =	stream.linear.gather [hbm4b:s16+s1], $0x400, $0x38;
	[tilespmem:$0x10600] =	vst v63  }
0x2d2: {  	s21 =	spop (v2sf);
	s20 =	sld [smem:$0x7EF]  }
0x2d3: {  	(v2sf) =	vpush v19, $0xE;
	[tilespmem:s19], [sflag:$0x1] =	stream.linear.gather [hbm4b:s21+s1], $0x400, $0x38;
	[tilespmem:$0x10600] =	vst v63  }
0x2d4: {  	s22 =	sld [smem:$0x7F0];
	s16 =	sadd.s32 $0xF4280, s21  }
0x2d5: {  	[tilespmem:s20], [sflag:$0x1] =	stream.linear.gather [hbm4b:s16+s1], $0x400, $0x38;
	[tilespmem:$0x10600] =	vst v63  }
0x2d6: {  	s24 =	spop (v2sf);
	s23 =	sld [smem:$0x7F1]  }
0x2d7: {  	(v2sf) =	vpush v20, $0xE;
	[tilespmem:s22], [sflag:$0x2] =	stream.linear.gather [hbm4b:s24+s1], $0x400, $0x38;
	[tilespmem:$0x10600] =	vst v63  }
0x2d8: {  	s25 =	sld [smem:$0x7F2];
	s16 =	sadd.s32 $0xF4280, s24  }
0x2d9: {  	[tilespmem:s23], [sflag:$0x2] =	stream.linear.gather [hbm4b:s16+s1], $0x400, $0x38;
	[tilespmem:$0x10600] =	vst v63  }
0x2da: {  	s28 =	spop (v2sf);
	s26 =	sld [smem:$0x7F3]  }
0x2db: {  	(v2sf) =	vpush v19, $0xF;
	[tilespmem:s25], [sflag:$0x1] =	stream.linear.gather [hbm4b:s28+s1], $0x400, $0x38;
	[tilespmem:$0x10600] =	vst v63  }
0x2dc: {  	s29 =	sld [smem:$0x7F4];
	s16 =	sadd.s32 $0xF4280, s28  }
0x2dd: {  	[tilespmem:s26], [sflag:$0x1] =	stream.linear.gather [hbm4b:s16+s1], $0x400, $0x38;
	[tilespmem:$0x10600] =	vst v63  }
0x2de: {  	s31 =	spop (v2sf);
	s30 =	sld [smem:$0x7F5]  }
0x2df: {  	(v2sf) =	vpush v20, $0xF;
	[tilespmem:s29], [sflag:$0x2] =	stream.linear.gather [hbm4b:s31+s1], $0x400, $0x38;
	[tilespmem:$0x10600] =	vst v63  }
0x2e0: {  	s19 =	sld [smem:$0x7F6];
	s16 =	sadd.s32 $0xF4280, s31  }
0x2e1: {  	[tilespmem:s30], [sflag:$0x2] =	stream.linear.gather [hbm4b:s16+s1], $0x400, $0x38;
	[tilespmem:$0x10600] =	vst v63  }
0x2e2: {  	s21 =	spop (v2sf);
	s20 =	sld [smem:$0x7F7]  }
0x2e3: {  	[tilespmem:s19], [sflag:$0x1] =	stream.linear.gather [hbm4b:s21+s1], $0x400, $0x38;
	[tilespmem:$0x10600] =	vst v63  }
0x2e4: {  	s22 =	sld [smem:$0x7F8];
	s16 =	sadd.s32 $0xF4280, s21  }
0x2e5: {  	[tilespmem:s20], [sflag:$0x1] =	stream.linear.gather [hbm4b:s16+s1], $0x400, $0x38;
	[tilespmem:$0x10600] =	vst v63  }
0x2e6: {  	s24 =	spop (v2sf);
	s23 =	sld [smem:$0x7F9]  }
0x2e7: {  	[tilespmem:s22], [sflag:$0x2] =	stream.linear.gather [hbm4b:s24+s1], $0x400, $0x38;
	[tilespmem:$0x10600] =	vst v63  }
0x2e8: {  	s25 =	sld [smem:$0x7FA];
	s16 =	sadd.s32 $0xF4280, s24  }
0x2e9: {  	[tilespmem:s23], [sflag:$0x2] =	stream.linear.gather [hbm4b:s16+s1], $0x400, $0x38;
	[tilespmem:$0x10600] =	vst v63  }
0x2ea: {  	s28 =	spop (v2sf);
	s26 =	sld [smem:$0x7FB]  }
0x2eb: {  	[tilespmem:s25], [sflag:$0x1] =	stream.linear.gather [hbm4b:s28+s1], $0x400, $0x38;
	[tilespmem:$0x10600] =	vst v63  }
0x2ec: {  	s29 =	sld [smem:$0x7FC];
	s16 =	sadd.s32 $0xF4280, s28  }
0x2ed: {  	[tilespmem:s26], [sflag:$0x1] =	stream.linear.gather [hbm4b:s16+s1], $0x400, $0x38;
	[tilespmem:$0x10600] =	vst v63  }
0x2ee: {  	s31 =	spop (v2sf);
	s30 =	sld [smem:$0x7FD]  }
0x2ef: {  	[tilespmem:s29], [sflag:$0x2] =	stream.linear.gather [hbm4b:s31+s1], $0x400, $0x38;
	[tilespmem:$0x10600] =	vst v63  }
0x2f0: {  	s16 =	sadd.s32 $0xF4280, s31  }
0x2f1: {  	[tilespmem:s30], [sflag:$0x2] =	stream.linear.gather [hbm4b:s16+s1], $0x400, $0x38;
	[tilespmem:$0x10600] =	vst v63  }
0x2f2: {  	_ =	swait.ge [sflag:s11], $0x800  }
0x2f3: {  	[sflag:s11] =	ssyncset.done $0x0  }
0x2f4: {  	[sflag:s11] =	ssyncadd.s32 $0xFFFFF800  }
0x2f5: {  	_ =	swait.ge [sflag:s12], $0x800  }
0x2f6: {  	[sflag:s12] =	ssyncset.done $0x0  }
0x2f7: {  	[sflag:s12] =	ssyncadd.s32 $0xFFFFF800  }
0x2f8: {  	_ =	swait.ge [sflag:s11], $0x800  }
0x2f9: {  	[sflag:s11] =	ssyncset.done $0x0  }
0x2fa: {  	[sflag:s11] =	ssyncadd.s32 $0xFFFFF800  }
0x2fb: {  	_ =	swait.ge [sflag:s12], $0x800  }
0x2fc: {  	[sflag:s12] =	ssyncset.done $0x0  }
0x2fd: {  	[sflag:s12] =	ssyncadd.s32 $0xFFFFF800  }
0x2fe: {  	_ =	swait.ge [sflag:s11], $0x800  }
0x2ff: {  	[sflag:s11] =	ssyncset.done $0x0  }
0x300: {  	[sflag:s11] =	ssyncadd.s32 $0xFFFFF800  }
0x301: {  	_ =	swait.ge [sflag:s12], $0x800  }
0x302: {  	[sflag:s12] =	ssyncset.done $0x0  }
0x303: {  	[sflag:s12] =	ssyncadd.s32 $0xFFFFF800  }
0x304: {  	_ =	swait.ge [sflag:s11], $0x800  }
0x305: {  	[sflag:s11] =	ssyncset.done $0x0  }
0x306: {  	[sflag:s11] =	ssyncadd.s32 $0xFFFFF800  }
0x307: {  	_ =	swait.ge [sflag:s12], $0x800  }
0x308: {  	[sflag:s12] =	ssyncset.done $0x0  }
0x309: {  	[sflag:s12] =	ssyncadd.s32 $0xFFFFF800  }
0x30a: {  	_ =	swait.ge [sflag:s11], $0x800  }
0x30b: {  	[sflag:s11] =	ssyncset.done $0x0  }
0x30c: {  	[sflag:s11] =	ssyncadd.s32 $0xFFFFF800  }
0x30d: {  	_ =	swait.ge [sflag:s12], $0x800  }
0x30e: {  	[sflag:s12] =	ssyncset.done $0x0  }
0x30f: {  	[sflag:s12] =	ssyncadd.s32 $0xFFFFF800  }
0x310: {  	_ =	swait.ge [sflag:s11], $0x800  }
0x311: {  	[sflag:s11] =	ssyncset.done $0x0  }
0x312: {  	[sflag:s11] =	ssyncadd.s32 $0xFFFFF800  }
0x313: {  	_ =	swait.ge [sflag:s12], $0x800  }
0x314: {  	[sflag:s12] =	ssyncset.done $0x0  }
0x315: {  	[sflag:s12] =	ssyncadd.s32 $0xFFFFF800  }
0x316: {  	_ =	swait.ge [sflag:s11], $0x800  }
0x317: {  	[sflag:s11] =	ssyncset.done $0x0  }
0x318: {  	[sflag:s11] =	ssyncadd.s32 $0xFFFFF800  }
0x319: {  	_ =	swait.ge [sflag:s12], $0x800  }
0x31a: {  	[sflag:s12] =	ssyncset.done $0x0  }
0x31b: {  	[sflag:s12] =	ssyncadd.s32 $0xFFFFF800  }
0x31c: {  	_ =	swait.ge [sflag:s11], $0x800  }
0x31d: {  	[sflag:s11] =	ssyncset.done $0x0  }
0x31e: {  	[sflag:s11] =	ssyncadd.s32 $0xFFFFF800  }
0x31f: {  	_ =	swait.ge [sflag:s12], $0x800  }
0x320: {  	[sflag:s12] =	ssyncset.done $0x0  }
0x321: {  	[sflag:s12] =	ssyncadd.s32 $0xFFFFF800  }
0x322: {  	_ =	swait.ge [sflag:s11], $0x800  }
0x323: {  	[sflag:s11] =	ssyncset.done $0x0  }
0x324: {  	[sflag:s11] =	ssyncadd.s32 $0xFFFFF800  }
0x325: {  	_ =	swait.ge [sflag:s12], $0x800  }
0x326: {  	[sflag:s12] =	ssyncset.done $0x0  }
0x327: {  	[sflag:s12] =	ssyncadd.s32 $0xFFFFF800  }
0x328: {  	_ =	swait.ge [sflag:s11], $0x800  }
0x329: {  	[sflag:s11] =	ssyncset.done $0x0  }
0x32a: {  	[sflag:s11] =	ssyncadd.s32 $0xFFFFF800  }
0x32b: {  	_ =	swait.ge [sflag:s12], $0x800  }
0x32c: {  	[sflag:s12] =	ssyncset.done $0x0  }
0x32d: {  	[sflag:s12] =	ssyncadd.s32 $0xFFFFF800  }
0x32e: {  	_ =	swait.ge [sflag:s11], $0x800  }
0x32f: {  	[sflag:s11] =	ssyncset.done $0x0  }
0x330: {  	[sflag:s11] =	ssyncadd.s32 $0xFFFFF800  }
0x331: {  	_ =	swait.ge [sflag:s12], $0x800  }
0x332: {  	[sflag:s12] =	ssyncset.done $0x0  }
0x333: {  	[sflag:s12] =	ssyncadd.s32 $0xFFFFF800  }
0x334: {  	_ =	swait.ge [sflag:s11], $0x800  }
0x335: {  	[sflag:s11] =	ssyncset.done $0x0  }
0x336: {  	[sflag:s11] =	ssyncadd.s32 $0xFFFFF800  }
0x337: {  	_ =	swait.ge [sflag:s12], $0x800  }
0x338: {  	[sflag:s12] =	ssyncset.done $0x0  }
0x339: {  	[sflag:s12] =	ssyncadd.s32 $0xFFFFF800  }
0x33a: {  	_ =	swait.ge [sflag:s11], $0x800  }
0x33b: {  	[sflag:s11] =	ssyncset.done $0x0  }
0x33c: {  	[sflag:s11] =	ssyncadd.s32 $0xFFFFF800  }
0x33d: {  	_ =	swait.ge [sflag:s12], $0x800  }
0x33e: {  	[sflag:s12] =	ssyncset.done $0x0  }
0x33f: {  	[sflag:s12] =	ssyncadd.s32 $0xFFFFF800  }
0x340: {  	_ =	swait.ge [sflag:s11], $0x800  }
0x341: {  	[sflag:s11] =	ssyncset.done $0x0  }
0x342: {  	[sflag:s11] =	ssyncadd.s32 $0xFFFFF800  }
0x343: {  	_ =	swait.ge [sflag:s12], $0x800  }
0x344: {  	[sflag:s12] =	ssyncset.done $0x0  }
0x345: {  	[sflag:s12] =	ssyncadd.s32 $0xFFFFF800  }
0x346: {  	_ =	swait.ge [sflag:s11], $0x800  }
0x347: {  	[sflag:s11] =	ssyncset.done $0x0  }
0x348: {  	[sflag:s11] =	ssyncadd.s32 $0xFFFFF800  }
0x349: {  	_ =	swait.ge [sflag:s12], $0x800  }
0x34a: {  	[sflag:s12] =	ssyncset.done $0x0  }
0x34b: {  	[sflag:s12] =	ssyncadd.s32 $0xFFFFF800  }
0x34c: {  	_ =	swait.ge [sflag:s11], $0x800  }
0x34d: {  	v16 =	vor.u32 v0, v21;
	[sflag:s11] =	ssyncset.done $0x0  }
0x34e: {  	v17 =	vor.u32 v0, v22;
	[sflag:s11] =	ssyncadd.s32 $0xFFFFF800  }
0x34f: {  	v48 =	vor.u32 v1, v21;
	_ =	swait.ge [sflag:s12], $0x800  }
0x350: {  	v49 =	vor.u32 v1, v22;
	[sflag:s12] =	ssyncset.done $0x0  }
0x351: {  	v50 =	vor.u32 v2, v22;
	[sflag:s12] =	ssyncadd.s32 $0xFFFFF800  }
0x352: {  	v51 =	vor.u32 v2, v21;
	v16 =	vld.idx.msk [tilespmem:v16+s9+$0x0], $0xffff  }
0x353: {  	v52 =	vor.u32 v3, v22;
	v17 =	vld.idx.msk [tilespmem:v17+s10+$0x0], $0xffff  }
0x354: {  	v53 =	vor.u32 v3, v21;
	v18 =	vld.idx.msk [tilespmem:v48+s9+$0x0], $0xffff  }
0x355: {  	v54 =	vor.u32 v4, v21;
	v19 =	vld.idx.msk [tilespmem:v49+s10+$0x0], $0xffff  }
0x356: {  	v55 =	vor.u32 v4, v22;
	v20 =	vld.idx.msk [tilespmem:v50+s10+$0x0], $0xffff  }
0x357: {  	v56 =	vor.u32 v5, v21;
	v24 =	vld.idx.msk [tilespmem:v51+s9+$0x0], $0xffff  }
0x358: {  	v57 =	vor.u32 v5, v22;
	v25 =	vld.idx.msk [tilespmem:v52+s10+$0x0], $0xffff;
	v16 =	vmul.f32 v17, v16  }
0x359: {  	v58 =	vor.u32 v6, v21;
	v17 =	vld.idx.msk [tilespmem:v53+s9+$0x0], $0xffff  }
0x35a: {  	v60 =	vor.u32 v6, v22;
	v59 =	vld.idx.msk [tilespmem:v54+s9+$0x0], $0xffff;
	v18 =	vmul.f32 v19, v18;
	v16 =	vadd.f32 $0.0e+00, v16  }
0x35b: {  	v61 =	vor.u32 v7, v21;
	v28 =	vld.idx.msk [tilespmem:v55+s10+$0x0], $0xffff  }
0x35c: {  	v63 =	vor.u32 v7, v22;
	v62 =	vld.idx.msk [tilespmem:v56+s9+$0x0], $0xffff;
	v20 =	vmul.f32 v20, v24;
	v16 =	vadd.f32 v18, v16  }
0x35d: {  	v37 =	vor.u32 v8, v21;
	v36 =	vld.idx.msk [tilespmem:v57+s10+$0x0], $0xffff  }
0x35e: {  	v38 =	vor.u32 v8, v22;
	v39 =	vld.idx.msk [tilespmem:v58+s9+$0x0], $0xffff;
	v17 =	vmul.f32 v25, v17;
	v16 =	vadd.f32 v20, v16  }
0x35f: {  	v41 =	vor.u32 v9, v21;
	v40 =	vld.idx.msk [tilespmem:v60+s10+$0x0], $0xffff  }
0x360: {  	v43 =	vor.u32 v9, v22;
	v42 =	vld.idx.msk [tilespmem:v61+s9+$0x0], $0xffff;
	v19 =	vmul.f32 v28, v59;
	v16 =	vadd.f32 v17, v16  }
0x361: {  	v46 =	vor.u32 v10, v22;
	v17 =	vld.idx.msk [tilespmem:v63+s10+$0x0], $0xffff  }
0x362: {  	v44 =	vor.u32 v10, v21;
	v45 =	vld.idx.msk [tilespmem:v37+s9+$0x0], $0xffff;
	v18 =	vmul.f32 v36, v62;
	v16 =	vadd.f32 v19, v16  }
0x363: {  	v47 =	vor.u32 v11, v21;
	v48 =	vld.idx.msk [tilespmem:v38+s10+$0x0], $0xffff  }
0x364: {  	v49 =	vor.u32 v11, v22;
	v26 =	vld.idx.msk [tilespmem:v41+s9+$0x0], $0xffff;
	v20 =	vmul.f32 v40, v39;
	v16 =	vadd.f32 v18, v16  }
0x365: {  	v51 =	vld.idx.msk [tilespmem:v43+s10+$0x0], $0xffff;
	v52 =	vor.u32 v12, v22  }
0x366: {  	v50 =	vor.u32 v12, v21;
	v54 =	vld.idx.msk [tilespmem:v46+s10+$0x0], $0xffff;
	v17 =	vmul.f32 v17, v42;
	v16 =	vadd.f32 v20, v16  }
0x367: {  	v28 =	vld.idx.msk [tilespmem:v44+s9+$0x0], $0xffff  }
0x368: {  	v53 =	vor.u32 v13, v21;
	v24 =	vmul.f32 v48, v45;
	v19 =	vld.idx.msk [tilespmem:v47+s9+$0x0], $0xffff;
	v16 =	vadd.f32 v17, v16  }
0x369: {  	v55 =	vor.u32 v14, v21;
	v17 =	vld.idx.msk [tilespmem:v49+s10+$0x0], $0xffff  }
0x36a: {  	v56 =	vor.u32 v14, v22;
	v57 =	vld.idx.msk [tilespmem:v52+s10+$0x0], $0xffff;
	v25 =	vmul.f32 v51, v26;
	v16 =	vadd.f32 v24, v16  }
0x36b: {  	v58 =	vor.u32 v15, v21;
	v18 =	vld.idx.msk [tilespmem:v50+s9+$0x0], $0xffff  }
0x36c: {  	v23 =	vld.idx.msk [tilespmem:v23+s10+$0x0], $0xffff;
	v59 =	vor.u32 v15, v22;
	v60 =	vmul.f32 v54, v28;
	v16 =	vadd.f32 v25, v16  }
0x36d: {  	v20 =	vld.idx.msk [tilespmem:v53+s9+$0x0], $0xffff  }
0x36e: {  	v61 =	vld.idx.msk [tilespmem:v55+s9+$0x0], $0xffff;
	v17 =	vmul.f32 v17, v19;
	v16 =	vadd.f32 v60, v16  }
0x36f: {  	v62 =	vld.idx.msk [tilespmem:v56+s10+$0x0], $0xffff  }
0x370: {  	v21 =	vld.idx.msk [tilespmem:v58+s9+$0x0], $0xffff;
	v18 =	vmul.f32 v57, v18;
	v16 =	vadd.f32 v17, v16  }
0x371: {  	v17 =	vld.idx.msk [tilespmem:v59+s10+$0x0], $0xffff  }
0x372: {  	v20 =	vmul.f32 v23, v20;
	v16 =	vadd.f32 v18, v16;
	_ =	sdelay $0x1  }
0x373: {  	v63 =	vmul.f32 v62, v61;
	v16 =	vadd.f32 v20, v16;
	_ =	sdelay $0x1  }
0x374: {  	v17 =	vmul.f32 v17, v21;
	v16 =	vadd.f32 v63, v16;
	_ =	sdelay $0x1  }
0x375: {  	s14 =	sadd.s32 $0x1, s14;
	v16 =	vadd.f32 v17, v16  }
0x376: {  	p0 =	sne.s32 s14, s6  }
.Ltmp1:
0x377: {  	[tilespmem:s17+$0x10400] =	vst v16;
	(pc) =	sbr.rel @p0 .LBB2_1-.Ltmp1, $4  }
0x378: {  	[hbm4b:s5+s1] =	stream.linear.scatter [tilespmem:s13], [sflag:$0x3], $0x200, $0x38;
	[tilespmem:$0x10600] =	vst v63  }
0x379: {  	_ =	swait.ge [sflag:s7], $0x200  }
0x37a: {  	[sflag:s7] =	ssyncset.done $0x0  }
0x37b: {  	[sflag:s7] =	ssyncadd.s32 $0xFFFFFE00  }
0x37c: {  	_ =	sfence.sel $0x180000  }
0x37d: {  	[bflag:$0x0] =	sbarrier.arrive $0xFFFF  }
0x37e: {  	p0 =	sne.s32 s2, $0x0;
	_ =	strace $0x90000047  }
0x37f: {  	s0 =	sadd.s32 @!p0 $0x100000, s0;
	[bflag:$0x2] =	sbarrier.arrive $0xFFFF  }
0x380: {  	[sflag:s0] =	ssyncadd.tile.s32 @!p0 $0x1;
	_ =	shalt  }
.Lfunc_end2:
_tile_overlayer_lowered:
.L_overlay_start_2:
0x381: {  	(tag) =	ssettag $0x2  }
0x382: {  	s0 =	rddreg [dreg:$0x0];
	s2 =	stileid.u32  }
0x383: {  	s1 =	rddreg [dreg:$0x1];
	p0 =	sne.s32 s2, $0x0  }
0x384: {  	s3 =	rddreg [dreg:$0x2];
	[bflag:$0x3] =	sbarrier.arrive $0xFFFF;
	s2 =	simm.s32 @!p0 $0x1C03  }
0x385: {  	[timem:s3], [sflag:s2] =	dma.local @!p0 [hbm:s0], s1  }
0x386: {  	s0 =	simm.s32 @!p0 $0x3  }
0x387: {  	_ =	swait.ge @!p0 [sflag:s0], s1  }
0x388: {  	s1 =	ssub.s32 @!p0 $0x0, s1;
	[sflag:s0] =	ssyncset.done @!p0 $0x0  }
0x389: {  	[sflag:s0] =	ssyncadd.s32 @!p0 s1  }
0x38a: {  	[bflag:$0x3] =	sbarrier.arrive $0xFFFF  }
0x38b: {  	_ =	shalt  }

</sc_bundles>
